<compile_context>
chip_gen: v7x
topology: tpu7x:2x2x1
jax: 0.10.2.dev20260603
libtpu: 0.0.44.dev20260713+nightly
codegen_flags: <defaults>
</compile_context>

<pallas_src>
import functools

import numpy as np

import jax
import jax.numpy as jnp
from jax import lax
from jax.experimental import pallas as pl
from jax.experimental.pallas import tpu as pltpu
from jax.experimental.pallas import tpu_sc as plsc

N_NODES = 10000
N_PAD = 10240
NC, NS = 2, 16
NW = NC * NS
DUMP_ROW = N_NODES + 64
ROW_BLK = 1024


def _tc_matmul(x, w):
    n, k = x.shape
    d = w.shape[1]

    def body(x_ref, w_ref, o_ref):
        o_ref[...] = jnp.dot(x_ref[...], w_ref[...],
                             preferred_element_type=jnp.float32
                             ).astype(jnp.bfloat16)

    return pl.pallas_call(
        body,
        grid=(n // ROW_BLK,),
        in_specs=[
            pl.BlockSpec((ROW_BLK, k), lambda i: (i, 0)),
            pl.BlockSpec((k, d), lambda i: (0, 0)),
        ],
        out_specs=pl.BlockSpec((ROW_BLK, d), lambda i: (i, 0)),
        out_shape=jax.ShapeDtypeStruct((n, d), jnp.bfloat16),
    )(x, w)


def _tc_combine(x, w_self, parts, b, relu, w_next=None):
    n, k = x.shape
    d = w_self.shape[1]
    d2 = None if w_next is None else w_next.shape[1]

    def body(x_ref, ws_ref, p_ref, b_ref, *rest):
        h = jnp.dot(x_ref[...], ws_ref[...], preferred_element_type=jnp.float32)
        h = h + (p_ref[0] + p_ref[1]).astype(jnp.float32) + b_ref[...]
        if relu:
            h = jnp.maximum(h, 0.0)
        if w_next is None:
            (o_ref,) = rest
            o_ref[...] = h
        else:
            wn_ref, h_ref, y_ref = rest
            h_ref[...] = h
            y_ref[...] = jnp.dot(h, wn_ref[...], preferred_element_type=jnp.float32
                                 ).astype(jnp.bfloat16)

    in_specs = [
        pl.BlockSpec((ROW_BLK, k), lambda i: (i, 0)),
        pl.BlockSpec((k, d), lambda i: (0, 0)),
        pl.BlockSpec((NC, ROW_BLK, d), lambda i: (0, i, 0)),
        pl.BlockSpec((1, d), lambda i: (0, 0)),
    ]
    operands = [x, w_self, parts, b.reshape(1, d)]
    if w_next is None:
        out_specs = pl.BlockSpec((ROW_BLK, d), lambda i: (i, 0))
        out_shape = jax.ShapeDtypeStruct((n, d), jnp.float32)
    else:
        in_specs.append(pl.BlockSpec((d, d2), lambda i: (0, 0)))
        operands.append(w_next)
        out_specs = [
            pl.BlockSpec((ROW_BLK, d), lambda i: (i, 0)),
            pl.BlockSpec((ROW_BLK, d2), lambda i: (i, 0)),
        ]
        out_shape = [
            jax.ShapeDtypeStruct((n, d), jnp.float32),
            jax.ShapeDtypeStruct((n, d2), jnp.bfloat16),
        ]

    return pl.pallas_call(
        body,
        grid=(n // ROW_BLK,),
        in_specs=in_specs,
        out_specs=out_specs,
        out_shape=out_shape,
    )(*operands)


def _sc_agg(y, src2, dst2, zeros, edge_b, cnt_a, cnt_b, core_a):
    d = y.shape[1]
    dt = y.dtype
    n_max = max(cnt_a, cnt_b)
    rows_per_s = N_PAD // NS
    mesh = plsc.VectorSubcoreMesh(core_axis_name="c", subcore_axis_name="s")

    @functools.partial(
        pl.kernel,
        out_type=jax.ShapeDtypeStruct((NC, N_PAD, d), dt),
        mesh=mesh,
        scratch_types=[
            pltpu.VMEM_SHARED((N_PAD, d), dt),
            pltpu.VMEM((n_max, edge_b), jnp.int32),
            pltpu.VMEM((n_max, edge_b), jnp.int32),
            pltpu.VMEM((edge_b, d), dt),
            pltpu.SemaphoreType.DMA,
        ],
        compiler_params=pltpu.CompilerParams(use_tc_tiling_on_sc=False),
    )
    def k(y_hbm, src_hbm, dst_hbm, z_hbm, out_hbm, acc, src_v, dst_v,
          rows_v, sem):
        c = lax.axis_index("c")
        s = lax.axis_index("s")
        r0 = s * rows_per_s
        pltpu.sync_copy(z_hbm.at[pl.ds(r0, rows_per_s)],
                        acc.at[pl.ds(r0, rows_per_s)])

        @pl.when(c == core_a)
        def _():
            pltpu.sync_copy(src_hbm.at[pl.ds(s * cnt_a, cnt_a)],
                            src_v.at[pl.ds(0, cnt_a)])
            pltpu.sync_copy(dst_hbm.at[pl.ds(s * cnt_a, cnt_a)],
                            dst_v.at[pl.ds(0, cnt_a)])

        @pl.when(c != core_a)
        def _():
            pltpu.sync_copy(src_hbm.at[pl.ds(NS * cnt_a + s * cnt_b, cnt_b)],
                            src_v.at[pl.ds(0, cnt_b)])
            pltpu.sync_copy(dst_hbm.at[pl.ds(NS * cnt_a + s * cnt_b, cnt_b)],
                            dst_v.at[pl.ds(0, cnt_b)])

        plsc.subcore_barrier()
        cnt = jnp.where(c == core_a, cnt_a, cnt_b)

        @pl.loop(0, cnt)
        def edge_chunk(j):
            pltpu.async_copy(y_hbm.at[src_v.at[j]], rows_v, sem).wait()
            pltpu.sync_copy(rows_v, acc.at[dst_v.at[j]], add=True)

        plsc.subcore_barrier()
        pltpu.sync_copy(acc.at[pl.ds(r0, rows_per_s)],
                        out_hbm.at[c, pl.ds(r0, rows_per_s)])

    return k(y, src2, dst2, zeros)


EDGE_B = 128
CNT_A = 88
CNT_B = 69
CORE_A = 0


def kernel(x, edge_index, W_self0, W_neigh0, b0, W_self1, W_neigh1, b1):
    n_edges = edge_index.shape[1]
    e_pad = NS * (CNT_A + CNT_B) * EDGE_B
    assert e_pad >= n_edges

    x_pad = jnp.zeros((N_PAD, x.shape[1]), jnp.float32).at[:N_NODES].set(x)
    n_tail = e_pad - n_edges
    tail_src = np.zeros((n_tail,), np.int32)
    tail_dst = N_NODES + (np.arange(n_tail, dtype=np.int32) % (N_PAD - N_NODES))
    src2 = jnp.concatenate([edge_index[0], tail_src]).reshape(-1, EDGE_B)
    dst2 = jnp.concatenate([edge_index[1], tail_dst]).reshape(-1, EDGE_B)

    d_hid = W_neigh0.shape[1]
    d_out = W_neigh1.shape[1]
    zeros_hid = jnp.zeros((N_PAD, d_hid), jnp.bfloat16)
    zeros_out = jnp.zeros((N_PAD, d_out), jnp.bfloat16)

    y0 = _tc_matmul(x_pad, W_neigh0)
    p0 = _sc_agg(y0, src2, dst2, zeros_hid, EDGE_B, CNT_A, CNT_B, CORE_A)
    h, y1 = _tc_combine(x_pad, W_self0, p0, b0, relu=True, w_next=W_neigh1)
    p1 = _sc_agg(y1, src2, dst2, zeros_out, EDGE_B, CNT_A, CNT_B, CORE_A)
    out = _tc_combine(h, W_self1, p1, b1, relu=False)
    return out[:N_NODES]

# --- scband reference (transcript-rebuilt; emitter-appended) ---
"""Pipeline reference for scband-dist-sagemodel-68771016343877 (READ-ONLY COPY).

The authoritative reference and input builder live on the scoring server;
editing this copy changes nothing except your own understanding.
"""

import jax, jax.numpy as jnp
import numpy as np

N_NODES = 10000
N_EDGES = 320000
IN_FEATS = 128
N_HIDDEN = 128
N_CLASSES = 64


def setup_inputs(seed: int = 0) -> dict:
    key = jax.random.key(seed)
    k = jax.random.split(key, 8)
    x = jax.random.normal(k[0], (N_NODES, IN_FEATS), dtype=jnp.float32)
    edge_index = jax.random.randint(k[1], (2, N_EDGES), 0, N_NODES, dtype=jnp.int64 if jax.config.jax_enable_x64 else jnp.int32).astype(jnp.int32)
    s0 = 1.0 / np.sqrt(IN_FEATS)
    s1 = 1.0 / np.sqrt(N_HIDDEN)
    W_self0 = jax.random.uniform(k[2], (IN_FEATS, N_HIDDEN), jnp.float32, -s0, s0)
    W_neigh0 = jax.random.uniform(k[3], (IN_FEATS, N_HIDDEN), jnp.float32, -s0, s0)
    b0 = jnp.zeros((N_HIDDEN,), jnp.float32)
    W_self1 = jax.random.uniform(k[4], (N_HIDDEN, N_CLASSES), jnp.float32, -s1, s1)
    W_neigh1 = jax.random.uniform(k[5], (N_HIDDEN, N_CLASSES), jnp.float32, -s1, s1)
    b1 = jnp.zeros((N_CLASSES,), jnp.float32)
    return {"x": x, "edge_index": edge_index, "W_self0": W_self0, "W_neigh0": W_neigh0, "b0": b0, "W_self1": W_self1, "W_neigh1": W_neigh1, "b1": b1}


def _sage_conv(x, edge_index, W_self, W_neigh, b):
    # DistSageConv with aggregator_type='sum':
    # out = x @ W_self + sum_{j in N(i)} x_j @ W_neigh + b
    src = edge_index[0]
    dst = edge_index[1]
    gathered = jnp.take(x, src, axis=0)          # gather (SparseCore)
    agg = jax.ops.segment_sum(gathered, dst, num_segments=x.shape[0])  # scatter-add
    return x @ W_self + agg @ W_neigh + b


def reference(x, edge_index, W_self0, W_neigh0, b0, W_self1, W_neigh1, b1):
    # layer 0 (in_feats -> n_hidden), activation=relu, dropout p=0.0 (identity)
    h = _sage_conv(x, edge_index, W_self0, W_neigh0, b0)
    h = jax.nn.relu(h)
    # layer 1 (n_hidden -> n_classes), no activation on final layer
    out = _sage_conv(h, edge_index, W_self1, W_neigh1, b1)
    return out

if __name__ == "__main__":
    import jax
    _d = setup_inputs()
    print(jax.jit(kernel)(*tuple(_d.values())))

</pallas_src>

<mosaic_0001>
#map = affine_map<(d0, d1) -> (0, 0)>
#map1 = affine_map<(d0, d1) -> (0, 0, 0)>
module attributes {stable_mosaic.version = 14 : i64} {
  func.func @k(%arg0: i32, %arg1: i32, %arg2: memref<10240x128xbf16, #tpu.memory_space<hbm>>, %arg3: memref<2512x128xi32, #tpu.memory_space<hbm>>, %arg4: memref<2512x128xi32, #tpu.memory_space<hbm>>, %arg5: memref<10240x128xbf16, #tpu.memory_space<hbm>>, %arg6: memref<2x10240x128xbf16, #tpu.memory_space<hbm>>, %arg7: memref<10240x128xbf16, #tpu.memory_space<vmem_shared>>, %arg8: memref<88x128xi32, #tpu.memory_space<vmem>>, %arg9: memref<88x128xi32, #tpu.memory_space<vmem>>, %arg10: memref<128x128xbf16, #tpu.memory_space<vmem>>, %arg11: memref<!tpu.dma_semaphore, #tpu.memory_space<semaphore_mem>>) attributes {dimension_semantics = [#tpu.dimension_semantics<core_parallel>, #tpu.dimension_semantics<subcore_parallel>], iteration_bounds = array<i64: 2, 16>, scalar_prefetch = 0 : i64, scratch_operands = 5 : i64, tpu.core_type = #tpu.core_type<sc_vector_subcore>, window_params = [{transform_indices = #map}, {transform_indices = #map}, {transform_indices = #map}, {transform_indices = #map}, {transform_indices = #map1}]} {
    %mul3A = arith.constant 640 : i32
    %mul3A_0 = arith.muli %arg1, %mul3A : i32
    "tpu.region"() ({
      %run_scoped3A = tpu.sem_alloc : memref<!tpu.dma_semaphore, #tpu.memory_space<semaphore_mem>>
      %dma_start3A = arith.constant 0 : i32
      %dma_start3A_26 = tpu.memref_slice %arg7[%mul3A_0, %dma_start3A] : memref<10240x128xbf16, #tpu.memory_space<vmem_shared>> -> memref<640x128xbf16, #tpu.memory_space<vmem_shared>>
      %dma_start3A_27 = arith.constant 0 : i32
      %dma_start3A_28 = tpu.memref_slice %arg5[%mul3A_0, %dma_start3A_27] : memref<10240x128xbf16, #tpu.memory_space<hbm>> -> memref<640x128xbf16, #tpu.memory_space<hbm>>
      tpu.enqueue_dma source(%dma_start3A_28 : memref<640x128xbf16, #tpu.memory_space<hbm>>) target(%dma_start3A_26 : memref<640x128xbf16, #tpu.memory_space<vmem_shared>>) target_semaphore(%run_scoped3A : memref<!tpu.dma_semaphore, #tpu.memory_space<semaphore_mem>>)
      %dma_wait3A = arith.constant 0 : i32
      %dma_wait3A_29 = tpu.memref_slice %arg7[%mul3A_0, %dma_wait3A] : memref<10240x128xbf16, #tpu.memory_space<vmem_shared>> -> memref<640x128xbf16, #tpu.memory_space<vmem_shared>>
      %dma_wait3A_30 = arith.constant 0 : i32
      %dma_wait3A_31 = tpu.memref_slice %arg5[%mul3A_0, %dma_wait3A_30] : memref<10240x128xbf16, #tpu.memory_space<hbm>> -> memref<640x128xbf16, #tpu.memory_space<hbm>>
      tpu.wait_dma2 semaphore(%run_scoped3A : memref<!tpu.dma_semaphore, #tpu.memory_space<semaphore_mem>>) src(%dma_wait3A_31 : memref<640x128xbf16, #tpu.memory_space<hbm>>) dst(%dma_wait3A_29 : memref<640x128xbf16, #tpu.memory_space<vmem_shared>>)
      tpu.yield
    }) : () -> ()
    %eq3A = arith.constant 0 : i32
    %eq3A_1 = arith.cmpi eq, %arg0, %eq3A : i32
    %convert_element_type3A = arith.extui %eq3A_1 : i1 to i32
    %cond3A = arith.constant 0 : i32
    %cond3A_2 = arith.cmpi ne, %convert_element_type3A, %cond3A : i32
    scf.if %cond3A_2 {
      %mul3A_26 = arith.constant 88 : i32
      %mul3A_27 = arith.muli %arg1, %mul3A_26 : i32
      "tpu.region"() ({
        %run_scoped3A = tpu.sem_alloc : memref<!tpu.dma_semaphore, #tpu.memory_space<semaphore_mem>>
        %dma_start3A = arith.constant 0 : i32
        %dma_start3A_30 = arith.constant 0 : i32
        %dma_start3A_31 = tpu.memref_slice %arg8[%dma_start3A, %dma_start3A_30] : memref<88x128xi32, #tpu.memory_space<vmem>> -> memref<88x128xi32, #tpu.memory_space<vmem>>
        %dma_start3A_32 = arith.constant 0 : i32
        %dma_start3A_33 = tpu.memref_slice %arg3[%mul3A_27, %dma_start3A_32] : memref<2512x128xi32, #tpu.memory_space<hbm>> -> memref<88x128xi32, #tpu.memory_space<hbm>>
        %dma_start3A_34 = arith.constant 0 : i32
        %dma_start3A_35 = arith.constant 0 : i32
        %dma_start3A_36 = tpu.memref_slice %arg8[%dma_start3A_34, %dma_start3A_35] : memref<88x128xi32, #tpu.memory_space<vmem>> -> memref<88x128xi32, #tpu.memory_space<vmem>>
        %dma_start3A_37 = arith.constant 0 : i32
        %dma_start3A_38 = tpu.memref_slice %arg3[%mul3A_27, %dma_start3A_37] : memref<2512x128xi32, #tpu.memory_space<hbm>> -> memref<88x128xi32, #tpu.memory_space<hbm>>
        tpu.enqueue_dma source(%dma_start3A_38 : memref<88x128xi32, #tpu.memory_space<hbm>>) target(%dma_start3A_36 : memref<88x128xi32, #tpu.memory_space<vmem>>) target_semaphore(%run_scoped3A : memref<!tpu.dma_semaphore, #tpu.memory_space<semaphore_mem>>)
        %dma_wait3A = arith.constant 0 : i32
        %dma_wait3A_39 = arith.constant 0 : i32
        %dma_wait3A_40 = tpu.memref_slice %arg8[%dma_wait3A, %dma_wait3A_39] : memref<88x128xi32, #tpu.memory_space<vmem>> -> memref<88x128xi32, #tpu.memory_space<vmem>>
        %dma_wait3A_41 = arith.constant 0 : i32
        %dma_wait3A_42 = tpu.memref_slice %arg3[%mul3A_27, %dma_wait3A_41] : memref<2512x128xi32, #tpu.memory_space<hbm>> -> memref<88x128xi32, #tpu.memory_space<hbm>>
        %dma_wait3A_43 = arith.constant 0 : i32
        %dma_wait3A_44 = arith.constant 0 : i32
        %dma_wait3A_45 = tpu.memref_slice %arg8[%dma_wait3A_43, %dma_wait3A_44] : memref<88x128xi32, #tpu.memory_space<vmem>> -> memref<88x128xi32, #tpu.memory_space<vmem>>
        %dma_wait3A_46 = arith.constant 0 : i32
        %dma_wait3A_47 = tpu.memref_slice %arg3[%mul3A_27, %dma_wait3A_46] : memref<2512x128xi32, #tpu.memory_space<hbm>> -> memref<88x128xi32, #tpu.memory_space<hbm>>
        tpu.wait_dma2 semaphore(%run_scoped3A : memref<!tpu.dma_semaphore, #tpu.memory_space<semaphore_mem>>) src(%dma_wait3A_47 : memref<88x128xi32, #tpu.memory_space<hbm>>) dst(%dma_wait3A_45 : memref<88x128xi32, #tpu.memory_space<vmem>>)
        tpu.yield
      }) : () -> ()
      %mul3A_28 = arith.constant 88 : i32
      %mul3A_29 = arith.muli %arg1, %mul3A_28 : i32
      "tpu.region"() ({
        %run_scoped3A = tpu.sem_alloc : memref<!tpu.dma_semaphore, #tpu.memory_space<semaphore_mem>>
        %dma_start3A = arith.constant 0 : i32
        %dma_start3A_30 = arith.constant 0 : i32
        %dma_start3A_31 = tpu.memref_slice %arg9[%dma_start3A, %dma_start3A_30] : memref<88x128xi32, #tpu.memory_space<vmem>> -> memref<88x128xi32, #tpu.memory_space<vmem>>
        %dma_start3A_32 = arith.constant 0 : i32
        %dma_start3A_33 = tpu.memref_slice %arg4[%mul3A_29, %dma_start3A_32] : memref<2512x128xi32, #tpu.memory_space<hbm>> -> memref<88x128xi32, #tpu.memory_space<hbm>>
        %dma_start3A_34 = arith.constant 0 : i32
        %dma_start3A_35 = arith.constant 0 : i32
        %dma_start3A_36 = tpu.memref_slice %arg9[%dma_start3A_34, %dma_start3A_35] : memref<88x128xi32, #tpu.memory_space<vmem>> -> memref<88x128xi32, #tpu.memory_space<vmem>>
        %dma_start3A_37 = arith.constant 0 : i32
        %dma_start3A_38 = tpu.memref_slice %arg4[%mul3A_29, %dma_start3A_37] : memref<2512x128xi32, #tpu.memory_space<hbm>> -> memref<88x128xi32, #tpu.memory_space<hbm>>
        tpu.enqueue_dma source(%dma_start3A_38 : memref<88x128xi32, #tpu.memory_space<hbm>>) target(%dma_start3A_36 : memref<88x128xi32, #tpu.memory_space<vmem>>) target_semaphore(%run_scoped3A : memref<!tpu.dma_semaphore, #tpu.memory_space<semaphore_mem>>)
        %dma_wait3A = arith.constant 0 : i32
        %dma_wait3A_39 = arith.constant 0 : i32
        %dma_wait3A_40 = tpu.memref_slice %arg9[%dma_wait3A, %dma_wait3A_39] : memref<88x128xi32, #tpu.memory_space<vmem>> -> memref<88x128xi32, #tpu.memory_space<vmem>>
        %dma_wait3A_41 = arith.constant 0 : i32
        %dma_wait3A_42 = tpu.memref_slice %arg4[%mul3A_29, %dma_wait3A_41] : memref<2512x128xi32, #tpu.memory_space<hbm>> -> memref<88x128xi32, #tpu.memory_space<hbm>>
        %dma_wait3A_43 = arith.constant 0 : i32
        %dma_wait3A_44 = arith.constant 0 : i32
        %dma_wait3A_45 = tpu.memref_slice %arg9[%dma_wait3A_43, %dma_wait3A_44] : memref<88x128xi32, #tpu.memory_space<vmem>> -> memref<88x128xi32, #tpu.memory_space<vmem>>
        %dma_wait3A_46 = arith.constant 0 : i32
        %dma_wait3A_47 = tpu.memref_slice %arg4[%mul3A_29, %dma_wait3A_46] : memref<2512x128xi32, #tpu.memory_space<hbm>> -> memref<88x128xi32, #tpu.memory_space<hbm>>
        tpu.wait_dma2 semaphore(%run_scoped3A : memref<!tpu.dma_semaphore, #tpu.memory_space<semaphore_mem>>) src(%dma_wait3A_47 : memref<88x128xi32, #tpu.memory_space<hbm>>) dst(%dma_wait3A_45 : memref<88x128xi32, #tpu.memory_space<vmem>>)
        tpu.yield
      }) : () -> ()
    } else {
    }
    %ne3A = arith.constant 0 : i32
    %ne3A_3 = arith.cmpi ne, %arg0, %ne3A : i32
    %convert_element_type3A_4 = arith.extui %ne3A_3 : i1 to i32
    %cond3A_5 = arith.constant 0 : i32
    %cond3A_6 = arith.cmpi ne, %convert_element_type3A_4, %cond3A_5 : i32
    scf.if %cond3A_6 {
      %mul3A_26 = arith.constant 69 : i32
      %mul3A_27 = arith.muli %arg1, %mul3A_26 : i32
      %add3A_28 = arith.constant 1408 : i32
      %add3A_29 = arith.addi %add3A_28, %mul3A_27 : i32
      "tpu.region"() ({
        %run_scoped3A = tpu.sem_alloc : memref<!tpu.dma_semaphore, #tpu.memory_space<semaphore_mem>>
        %dma_start3A = arith.constant 0 : i32
        %dma_start3A_34 = arith.constant 0 : i32
        %dma_start3A_35 = tpu.memref_slice %arg8[%dma_start3A, %dma_start3A_34] : memref<88x128xi32, #tpu.memory_space<vmem>> -> memref<69x128xi32, #tpu.memory_space<vmem>>
        %dma_start3A_36 = arith.constant 0 : i32
        %dma_start3A_37 = tpu.memref_slice %arg3[%add3A_29, %dma_start3A_36] : memref<2512x128xi32, #tpu.memory_space<hbm>> -> memref<69x128xi32, #tpu.memory_space<hbm>>
        %dma_start3A_38 = arith.constant 0 : i32
        %dma_start3A_39 = arith.constant 0 : i32
        %dma_start3A_40 = tpu.memref_slice %arg8[%dma_start3A_38, %dma_start3A_39] : memref<88x128xi32, #tpu.memory_space<vmem>> -> memref<69x128xi32, #tpu.memory_space<vmem>>
        %dma_start3A_41 = arith.constant 0 : i32
        %dma_start3A_42 = tpu.memref_slice %arg3[%add3A_29, %dma_start3A_41] : memref<2512x128xi32, #tpu.memory_space<hbm>> -> memref<69x128xi32, #tpu.memory_space<hbm>>
        tpu.enqueue_dma source(%dma_start3A_42 : memref<69x128xi32, #tpu.memory_space<hbm>>) target(%dma_start3A_40 : memref<69x128xi32, #tpu.memory_space<vmem>>) target_semaphore(%run_scoped3A : memref<!tpu.dma_semaphore, #tpu.memory_space<semaphore_mem>>)
        %dma_wait3A = arith.constant 0 : i32
        %dma_wait3A_43 = arith.constant 0 : i32
        %dma_wait3A_44 = tpu.memref_slice %arg8[%dma_wait3A, %dma_wait3A_43] : memref<88x128xi32, #tpu.memory_space<vmem>> -> memref<69x128xi32, #tpu.memory_space<vmem>>
        %dma_wait3A_45 = arith.constant 0 : i32
        %dma_wait3A_46 = tpu.memref_slice %arg3[%add3A_29, %dma_wait3A_45] : memref<2512x128xi32, #tpu.memory_space<hbm>> -> memref<69x128xi32, #tpu.memory_space<hbm>>
        %dma_wait3A_47 = arith.constant 0 : i32
        %dma_wait3A_48 = arith.constant 0 : i32
        %dma_wait3A_49 = tpu.memref_slice %arg8[%dma_wait3A_47, %dma_wait3A_48] : memref<88x128xi32, #tpu.memory_space<vmem>> -> memref<69x128xi32, #tpu.memory_space<vmem>>
        %dma_wait3A_50 = arith.constant 0 : i32
        %dma_wait3A_51 = tpu.memref_slice %arg3[%add3A_29, %dma_wait3A_50] : memref<2512x128xi32, #tpu.memory_space<hbm>> -> memref<69x128xi32, #tpu.memory_space<hbm>>
        tpu.wait_dma2 semaphore(%run_scoped3A : memref<!tpu.dma_semaphore, #tpu.memory_space<semaphore_mem>>) src(%dma_wait3A_51 : memref<69x128xi32, #tpu.memory_space<hbm>>) dst(%dma_wait3A_49 : memref<69x128xi32, #tpu.memory_space<vmem>>)
        tpu.yield
      }) : () -> ()
      %mul3A_30 = arith.constant 69 : i32
      %mul3A_31 = arith.muli %arg1, %mul3A_30 : i32
      %add3A_32 = arith.constant 1408 : i32
      %add3A_33 = arith.addi %add3A_32, %mul3A_31 : i32
      "tpu.region"() ({
        %run_scoped3A = tpu.sem_alloc : memref<!tpu.dma_semaphore, #tpu.memory_space<semaphore_mem>>
        %dma_start3A = arith.constant 0 : i32
        %dma_start3A_34 = arith.constant 0 : i32
        %dma_start3A_35 = tpu.memref_slice %arg9[%dma_start3A, %dma_start3A_34] : memref<88x128xi32, #tpu.memory_space<vmem>> -> memref<69x128xi32, #tpu.memory_space<vmem>>
        %dma_start3A_36 = arith.constant 0 : i32
        %dma_start3A_37 = tpu.memref_slice %arg4[%add3A_33, %dma_start3A_36] : memref<2512x128xi32, #tpu.memory_space<hbm>> -> memref<69x128xi32, #tpu.memory_space<hbm>>
        %dma_start3A_38 = arith.constant 0 : i32
        %dma_start3A_39 = arith.constant 0 : i32
        %dma_start3A_40 = tpu.memref_slice %arg9[%dma_start3A_38, %dma_start3A_39] : memref<88x128xi32, #tpu.memory_space<vmem>> -> memref<69x128xi32, #tpu.memory_space<vmem>>
        %dma_start3A_41 = arith.constant 0 : i32
        %dma_start3A_42 = tpu.memref_slice %arg4[%add3A_33, %dma_start3A_41] : memref<2512x128xi32, #tpu.memory_space<hbm>> -> memref<69x128xi32, #tpu.memory_space<hbm>>
        tpu.enqueue_dma source(%dma_start3A_42 : memref<69x128xi32, #tpu.memory_space<hbm>>) target(%dma_start3A_40 : memref<69x128xi32, #tpu.memory_space<vmem>>) target_semaphore(%run_scoped3A : memref<!tpu.dma_semaphore, #tpu.memory_space<semaphore_mem>>)
        %dma_wait3A = arith.constant 0 : i32
        %dma_wait3A_43 = arith.constant 0 : i32
        %dma_wait3A_44 = tpu.memref_slice %arg9[%dma_wait3A, %dma_wait3A_43] : memref<88x128xi32, #tpu.memory_space<vmem>> -> memref<69x128xi32, #tpu.memory_space<vmem>>
        %dma_wait3A_45 = arith.constant 0 : i32
        %dma_wait3A_46 = tpu.memref_slice %arg4[%add3A_33, %dma_wait3A_45] : memref<2512x128xi32, #tpu.memory_space<hbm>> -> memref<69x128xi32, #tpu.memory_space<hbm>>
        %dma_wait3A_47 = arith.constant 0 : i32
        %dma_wait3A_48 = arith.constant 0 : i32
        %dma_wait3A_49 = tpu.memref_slice %arg9[%dma_wait3A_47, %dma_wait3A_48] : memref<88x128xi32, #tpu.memory_space<vmem>> -> memref<69x128xi32, #tpu.memory_space<vmem>>
        %dma_wait3A_50 = arith.constant 0 : i32
        %dma_wait3A_51 = tpu.memref_slice %arg4[%add3A_33, %dma_wait3A_50] : memref<2512x128xi32, #tpu.memory_space<hbm>> -> memref<69x128xi32, #tpu.memory_space<hbm>>
        tpu.wait_dma2 semaphore(%run_scoped3A : memref<!tpu.dma_semaphore, #tpu.memory_space<semaphore_mem>>) src(%dma_wait3A_51 : memref<69x128xi32, #tpu.memory_space<hbm>>) dst(%dma_wait3A_49 : memref<69x128xi32, #tpu.memory_space<vmem>>)
        tpu.yield
      }) : () -> ()
    } else {
    }
    %barrier3A = arith.constant 0 : index
    tpu.barrier barrier_id(%barrier3A)
    %eq3A_7 = arith.constant 0 : i32
    %eq3A_8 = arith.cmpi eq, %arg0, %eq3A_7 : i32
    %jit3A = arith.constant 88 : i32
    %jit3A_9 = arith.constant 69 : i32
    %select_n3A = arith.select %eq3A_8, %jit3A, %jit3A_9 : i32
    %sub3A = arith.constant 0 : i32
    %sub3A_10 = arith.subi %select_n3A, %sub3A : i32
    %sub3A_11 = arith.constant 1 : i32
    %sub3A_12 = arith.constant 1 : i32
    %sub3A_13 = arith.subi %sub3A_11, %sub3A_12 : i32
    %add3A = arith.addi %sub3A_10, %sub3A_13 : i32
    %div3A = arith.constant 1 : i32
    %div3A_14 = arith.divsi %add3A, %div3A : i32
    %while3A = arith.constant 1 : i32
    %while3A_15 = arith.constant 0 : i32
    %while3A_16 = arith.constant 0 : i32
    %while3A_17 = arith.subi %div3A_14, %while3A_16 : i32
    %while3A_18 = arith.addi %while3A_16, %while3A_17 : i32
    %while3A_19 = arith.constant 1 : i32
    %while3A_20 = arith.divsi %while3A_17, %while3A_19 : i32
    %while3A_21 = arith.muli %while3A_20, %while3A_19 : i32
    %while3A_22 = arith.addi %while3A_16, %while3A_21 : i32
    %while3A_23 = arith.constant 1 : i32
    scf.for %while3A_26 = %while3A_16 to %while3A_22 step %while3A_23  : i32 {
      %mul3A_27 = arith.muli %while3A_26, %while3A : i32
      %add3A_28 = arith.addi %while3A_15, %mul3A_27 : i32
      %dma_start3A = arith.constant 0 : i32
      %dma_start3A_29 = tpu.memref_slice %arg8[%add3A_28, %dma_start3A] : memref<88x128xi32, #tpu.memory_space<vmem>> -> memref<1x128xi32, #tpu.memory_space<vmem>>
      %dma_start3A_30 = tpu.memref_squeeze %dma_start3A_29 : memref<1x128xi32, #tpu.memory_space<vmem>> -> memref<128xi32, #tpu.memory_space<vmem>>
      %dma_start3A_31 = arith.constant 0 : i32
      %dma_start3A_32 = arith.constant 0 : i32
      %dma_start3A_33 = tpu.memref_slice %arg2[%dma_start3A_31, %dma_start3A_32] : memref<10240x128xbf16, #tpu.memory_space<hbm>> -> memref<10240x128xbf16, #tpu.memory_space<hbm>>
      tpu.enqueue_indirect_dma source(%dma_start3A_33 : memref<10240x128xbf16, #tpu.memory_space<hbm>>) target(%arg10 : memref<128x128xbf16, #tpu.memory_space<vmem>>) offsets(%dma_start3A_30 : memref<128xi32, #tpu.memory_space<vmem>>) semaphore(%arg11 : memref<!tpu.dma_semaphore, #tpu.memory_space<semaphore_mem>>)
      %dma_wait3A = arith.constant 0 : i32
      %dma_wait3A_34 = tpu.memref_slice %arg8[%add3A_28, %dma_wait3A] : memref<88x128xi32, #tpu.memory_space<vmem>> -> memref<1x128xi32, #tpu.memory_space<vmem>>
      %dma_wait3A_35 = tpu.memref_squeeze %dma_wait3A_34 : memref<1x128xi32, #tpu.memory_space<vmem>> -> memref<128xi32, #tpu.memory_space<vmem>>
      %dma_wait3A_36 = arith.constant 0 : i32
      %dma_wait3A_37 = arith.constant 0 : i32
      %dma_wait3A_38 = tpu.memref_slice %arg2[%dma_wait3A_36, %dma_wait3A_37] : memref<10240x128xbf16, #tpu.memory_space<hbm>> -> memref<10240x128xbf16, #tpu.memory_space<hbm>>
      tpu.wait_indirect_dma semaphore(%arg11 : memref<!tpu.dma_semaphore, #tpu.memory_space<semaphore_mem>>) src(%dma_wait3A_38 : memref<10240x128xbf16, #tpu.memory_space<hbm>>) dst(%arg10 : memref<128x128xbf16, #tpu.memory_space<vmem>>)
      "tpu.region"() ({
        %run_scoped3A = tpu.sem_alloc : memref<!tpu.dma_semaphore, #tpu.memory_space<semaphore_mem>>
        %dma_start3A_39 = arith.constant 0 : i32
        %dma_start3A_40 = tpu.memref_slice %arg9[%add3A_28, %dma_start3A_39] : memref<88x128xi32, #tpu.memory_space<vmem>> -> memref<1x128xi32, #tpu.memory_space<vmem>>
        %dma_start3A_41 = tpu.memref_squeeze %dma_start3A_40 : memref<1x128xi32, #tpu.memory_space<vmem>> -> memref<128xi32, #tpu.memory_space<vmem>>
        %dma_start3A_42 = arith.constant 0 : i32
        %dma_start3A_43 = arith.constant 0 : i32
        %dma_start3A_44 = tpu.memref_slice %arg7[%dma_start3A_42, %dma_start3A_43] : memref<10240x128xbf16, #tpu.memory_space<vmem_shared>> -> memref<10240x128xbf16, #tpu.memory_space<vmem_shared>>
        tpu.enqueue_indirect_dma source(%arg10 : memref<128x128xbf16, #tpu.memory_space<vmem>>) target(%dma_start3A_44 : memref<10240x128xbf16, #tpu.memory_space<vmem_shared>>) offsets(%dma_start3A_41 : memref<128xi32, #tpu.memory_space<vmem>>) semaphore(%run_scoped3A : memref<!tpu.dma_semaphore, #tpu.memory_space<semaphore_mem>>) {add = true}
        %dma_wait3A_45 = arith.constant 0 : i32
        %dma_wait3A_46 = tpu.memref_slice %arg9[%add3A_28, %dma_wait3A_45] : memref<88x128xi32, #tpu.memory_space<vmem>> -> memref<1x128xi32, #tpu.memory_space<vmem>>
        %dma_wait3A_47 = tpu.memref_squeeze %dma_wait3A_46 : memref<1x128xi32, #tpu.memory_space<vmem>> -> memref<128xi32, #tpu.memory_space<vmem>>
        %dma_wait3A_48 = arith.constant 0 : i32
        %dma_wait3A_49 = arith.constant 0 : i32
        %dma_wait3A_50 = tpu.memref_slice %arg7[%dma_wait3A_48, %dma_wait3A_49] : memref<10240x128xbf16, #tpu.memory_space<vmem_shared>> -> memref<10240x128xbf16, #tpu.memory_space<vmem_shared>>
        tpu.wait_indirect_dma semaphore(%run_scoped3A : memref<!tpu.dma_semaphore, #tpu.memory_space<semaphore_mem>>) src(%arg10 : memref<128x128xbf16, #tpu.memory_space<vmem>>) dst(%dma_wait3A_50 : memref<10240x128xbf16, #tpu.memory_space<vmem_shared>>)
        tpu.yield
      }) : () -> ()
    }
    %while3A_24 = arith.constant 1 : i32
    scf.for %while3A_26 = %while3A_22 to %while3A_18 step %while3A_24  : i32 {
      %mul3A_27 = arith.muli %while3A_26, %while3A : i32
      %add3A_28 = arith.addi %while3A_15, %mul3A_27 : i32
      %dma_start3A = arith.constant 0 : i32
      %dma_start3A_29 = tpu.memref_slice %arg8[%add3A_28, %dma_start3A] : memref<88x128xi32, #tpu.memory_space<vmem>> -> memref<1x128xi32, #tpu.memory_space<vmem>>
      %dma_start3A_30 = tpu.memref_squeeze %dma_start3A_29 : memref<1x128xi32, #tpu.memory_space<vmem>> -> memref<128xi32, #tpu.memory_space<vmem>>
      %dma_start3A_31 = arith.constant 0 : i32
      %dma_start3A_32 = arith.constant 0 : i32
      %dma_start3A_33 = tpu.memref_slice %arg2[%dma_start3A_31, %dma_start3A_32] : memref<10240x128xbf16, #tpu.memory_space<hbm>> -> memref<10240x128xbf16, #tpu.memory_space<hbm>>
      tpu.enqueue_indirect_dma source(%dma_start3A_33 : memref<10240x128xbf16, #tpu.memory_space<hbm>>) target(%arg10 : memref<128x128xbf16, #tpu.memory_space<vmem>>) offsets(%dma_start3A_30 : memref<128xi32, #tpu.memory_space<vmem>>) semaphore(%arg11 : memref<!tpu.dma_semaphore, #tpu.memory_space<semaphore_mem>>)
      %dma_wait3A = arith.constant 0 : i32
      %dma_wait3A_34 = tpu.memref_slice %arg8[%add3A_28, %dma_wait3A] : memref<88x128xi32, #tpu.memory_space<vmem>> -> memref<1x128xi32, #tpu.memory_space<vmem>>
      %dma_wait3A_35 = tpu.memref_squeeze %dma_wait3A_34 : memref<1x128xi32, #tpu.memory_space<vmem>> -> memref<128xi32, #tpu.memory_space<vmem>>
      %dma_wait3A_36 = arith.constant 0 : i32
      %dma_wait3A_37 = arith.constant 0 : i32
      %dma_wait3A_38 = tpu.memref_slice %arg2[%dma_wait3A_36, %dma_wait3A_37] : memref<10240x128xbf16, #tpu.memory_space<hbm>> -> memref<10240x128xbf16, #tpu.memory_space<hbm>>
      tpu.wait_indirect_dma semaphore(%arg11 : memref<!tpu.dma_semaphore, #tpu.memory_space<semaphore_mem>>) src(%dma_wait3A_38 : memref<10240x128xbf16, #tpu.memory_space<hbm>>) dst(%arg10 : memref<128x128xbf16, #tpu.memory_space<vmem>>)
      "tpu.region"() ({
        %run_scoped3A = tpu.sem_alloc : memref<!tpu.dma_semaphore, #tpu.memory_space<semaphore_mem>>
        %dma_start3A_39 = arith.constant 0 : i32
        %dma_start3A_40 = tpu.memref_slice %arg9[%add3A_28, %dma_start3A_39] : memref<88x128xi32, #tpu.memory_space<vmem>> -> memref<1x128xi32, #tpu.memory_space<vmem>>
        %dma_start3A_41 = tpu.memref_squeeze %dma_start3A_40 : memref<1x128xi32, #tpu.memory_space<vmem>> -> memref<128xi32, #tpu.memory_space<vmem>>
        %dma_start3A_42 = arith.constant 0 : i32
        %dma_start3A_43 = arith.constant 0 : i32
        %dma_start3A_44 = tpu.memref_slice %arg7[%dma_start3A_42, %dma_start3A_43] : memref<10240x128xbf16, #tpu.memory_space<vmem_shared>> -> memref<10240x128xbf16, #tpu.memory_space<vmem_shared>>
        tpu.enqueue_indirect_dma source(%arg10 : memref<128x128xbf16, #tpu.memory_space<vmem>>) target(%dma_start3A_44 : memref<10240x128xbf16, #tpu.memory_space<vmem_shared>>) offsets(%dma_start3A_41 : memref<128xi32, #tpu.memory_space<vmem>>) semaphore(%run_scoped3A : memref<!tpu.dma_semaphore, #tpu.memory_space<semaphore_mem>>) {add = true}
        %dma_wait3A_45 = arith.constant 0 : i32
        %dma_wait3A_46 = tpu.memref_slice %arg9[%add3A_28, %dma_wait3A_45] : memref<88x128xi32, #tpu.memory_space<vmem>> -> memref<1x128xi32, #tpu.memory_space<vmem>>
        %dma_wait3A_47 = tpu.memref_squeeze %dma_wait3A_46 : memref<1x128xi32, #tpu.memory_space<vmem>> -> memref<128xi32, #tpu.memory_space<vmem>>
        %dma_wait3A_48 = arith.constant 0 : i32
        %dma_wait3A_49 = arith.constant 0 : i32
        %dma_wait3A_50 = tpu.memref_slice %arg7[%dma_wait3A_48, %dma_wait3A_49] : memref<10240x128xbf16, #tpu.memory_space<vmem_shared>> -> memref<10240x128xbf16, #tpu.memory_space<vmem_shared>>
        tpu.wait_indirect_dma semaphore(%run_scoped3A : memref<!tpu.dma_semaphore, #tpu.memory_space<semaphore_mem>>) src(%arg10 : memref<128x128xbf16, #tpu.memory_space<vmem>>) dst(%dma_wait3A_50 : memref<10240x128xbf16, #tpu.memory_space<vmem_shared>>)
        tpu.yield
      }) : () -> ()
    }
    %barrier3A_25 = arith.constant 0 : index
    tpu.barrier barrier_id(%barrier3A_25)
    "tpu.region"() ({
      %run_scoped3A = tpu.sem_alloc : memref<!tpu.dma_semaphore, #tpu.memory_space<semaphore_mem>>
      %dma_start3A = arith.constant 0 : i32
      %dma_start3A_26 = tpu.memref_slice %arg6[%arg0, %mul3A_0, %dma_start3A] : memref<2x10240x128xbf16, #tpu.memory_space<hbm>> -> memref<1x640x128xbf16, #tpu.memory_space<hbm>>
      %dma_start3A_27 = tpu.memref_squeeze %dma_start3A_26 : memref<1x640x128xbf16, #tpu.memory_space<hbm>> -> memref<640x128xbf16, #tpu.memory_space<hbm>>
      %dma_start3A_28 = arith.constant 0 : i32
      %dma_start3A_29 = tpu.memref_slice %arg7[%mul3A_0, %dma_start3A_28] : memref<10240x128xbf16, #tpu.memory_space<vmem_shared>> -> memref<640x128xbf16, #tpu.memory_space<vmem_shared>>
      tpu.enqueue_dma source(%dma_start3A_29 : memref<640x128xbf16, #tpu.memory_space<vmem_shared>>) target(%dma_start3A_27 : memref<640x128xbf16, #tpu.memory_space<hbm>>) target_semaphore(%run_scoped3A : memref<!tpu.dma_semaphore, #tpu.memory_space<semaphore_mem>>)
      %dma_wait3A = arith.constant 0 : i32
      %dma_wait3A_30 = tpu.memref_slice %arg6[%arg0, %mul3A_0, %dma_wait3A] : memref<2x10240x128xbf16, #tpu.memory_space<hbm>> -> memref<1x640x128xbf16, #tpu.memory_space<hbm>>
      %dma_wait3A_31 = tpu.memref_squeeze %dma_wait3A_30 : memref<1x640x128xbf16, #tpu.memory_space<hbm>> -> memref<640x128xbf16, #tpu.memory_space<hbm>>
      %dma_wait3A_32 = arith.constant 0 : i32
      %dma_wait3A_33 = tpu.memref_slice %arg7[%mul3A_0, %dma_wait3A_32] : memref<10240x128xbf16, #tpu.memory_space<vmem_shared>> -> memref<640x128xbf16, #tpu.memory_space<vmem_shared>>
      tpu.wait_dma2 semaphore(%run_scoped3A : memref<!tpu.dma_semaphore, #tpu.memory_space<semaphore_mem>>) src(%dma_wait3A_33 : memref<640x128xbf16, #tpu.memory_space<vmem_shared>>) dst(%dma_wait3A_31 : memref<640x128xbf16, #tpu.memory_space<hbm>>)
      tpu.yield
    }) : () -> ()
    return
  }
}

#map = affine_map<(d0, d1) -> (0, 0)>
#map1 = affine_map<(d0, d1) -> (0, 0, 0)>
module attributes {stable_mosaic.version = 14 : i64} {
  func.func @k(%arg0: i32, %arg1: i32, %arg2: memref<10240x64xbf16, #tpu.memory_space<hbm>>, %arg3: memref<2512x128xi32, #tpu.memory_space<hbm>>, %arg4: memref<2512x128xi32, #tpu.memory_space<hbm>>, %arg5: memref<10240x64xbf16, #tpu.memory_space<hbm>>, %arg6: memref<2x10240x64xbf16, #tpu.memory_space<hbm>>, %arg7: memref<10240x64xbf16, #tpu.memory_space<vmem_shared>>, %arg8: memref<88x128xi32, #tpu.memory_space<vmem>>, %arg9: memref<88x128xi32, #tpu.memory_space<vmem>>, %arg10: memref<128x64xbf16, #tpu.memory_space<vmem>>, %arg11: memref<!tpu.dma_semaphore, #tpu.memory_space<semaphore_mem>>) attributes {dimension_semantics = [#tpu.dimension_semantics<core_parallel>, #tpu.dimension_semantics<subcore_parallel>], iteration_bounds = array<i64: 2, 16>, scalar_prefetch = 0 : i64, scratch_operands = 5 : i64, tpu.core_type = #tpu.core_type<sc_vector_subcore>, window_params = [{transform_indices = #map}, {transform_indices = #map}, {transform_indices = #map}, {transform_indices = #map}, {transform_indices = #map1}]} {
    %mul3A = arith.constant 640 : i32
    %mul3A_0 = arith.muli %arg1, %mul3A : i32
    "tpu.region"() ({
      %run_scoped3A = tpu.sem_alloc : memref<!tpu.dma_semaphore, #tpu.memory_space<semaphore_mem>>
      %dma_start3A = arith.constant 0 : i32
      %dma_start3A_26 = tpu.memref_slice %arg7[%mul3A_0, %dma_start3A] : memref<10240x64xbf16, #tpu.memory_space<vmem_shared>> -> memref<640x64xbf16, #tpu.memory_space<vmem_shared>>
      %dma_start3A_27 = arith.constant 0 : i32
      %dma_start3A_28 = tpu.memref_slice %arg5[%mul3A_0, %dma_start3A_27] : memref<10240x64xbf16, #tpu.memory_space<hbm>> -> memref<640x64xbf16, #tpu.memory_space<hbm>>
      tpu.enqueue_dma source(%dma_start3A_28 : memref<640x64xbf16, #tpu.memory_space<hbm>>) target(%dma_start3A_26 : memref<640x64xbf16, #tpu.memory_space<vmem_shared>>) target_semaphore(%run_scoped3A : memref<!tpu.dma_semaphore, #tpu.memory_space<semaphore_mem>>)
      %dma_wait3A = arith.constant 0 : i32
      %dma_wait3A_29 = tpu.memref_slice %arg7[%mul3A_0, %dma_wait3A] : memref<10240x64xbf16, #tpu.memory_space<vmem_shared>> -> memref<640x64xbf16, #tpu.memory_space<vmem_shared>>
      %dma_wait3A_30 = arith.constant 0 : i32
      %dma_wait3A_31 = tpu.memref_slice %arg5[%mul3A_0, %dma_wait3A_30] : memref<10240x64xbf16, #tpu.memory_space<hbm>> -> memref<640x64xbf16, #tpu.memory_space<hbm>>
      tpu.wait_dma2 semaphore(%run_scoped3A : memref<!tpu.dma_semaphore, #tpu.memory_space<semaphore_mem>>) src(%dma_wait3A_31 : memref<640x64xbf16, #tpu.memory_space<hbm>>) dst(%dma_wait3A_29 : memref<640x64xbf16, #tpu.memory_space<vmem_shared>>)
      tpu.yield
    }) : () -> ()
    %eq3A = arith.constant 0 : i32
    %eq3A_1 = arith.cmpi eq, %arg0, %eq3A : i32
    %convert_element_type3A = arith.extui %eq3A_1 : i1 to i32
    %cond3A = arith.constant 0 : i32
    %cond3A_2 = arith.cmpi ne, %convert_element_type3A, %cond3A : i32
    scf.if %cond3A_2 {
      %mul3A_26 = arith.constant 88 : i32
      %mul3A_27 = arith.muli %arg1, %mul3A_26 : i32
      "tpu.region"() ({
        %run_scoped3A = tpu.sem_alloc : memref<!tpu.dma_semaphore, #tpu.memory_space<semaphore_mem>>
        %dma_start3A = arith.constant 0 : i32
        %dma_start3A_30 = arith.constant 0 : i32
        %dma_start3A_31 = tpu.memref_slice %arg8[%dma_start3A, %dma_start3A_30] : memref<88x128xi32, #tpu.memory_space<vmem>> -> memref<88x128xi32, #tpu.memory_space<vmem>>
        %dma_start3A_32 = arith.constant 0 : i32
        %dma_start3A_33 = tpu.memref_slice %arg3[%mul3A_27, %dma_start3A_32] : memref<2512x128xi32, #tpu.memory_space<hbm>> -> memref<88x128xi32, #tpu.memory_space<hbm>>
        %dma_start3A_34 = arith.constant 0 : i32
        %dma_start3A_35 = arith.constant 0 : i32
        %dma_start3A_36 = tpu.memref_slice %arg8[%dma_start3A_34, %dma_start3A_35] : memref<88x128xi32, #tpu.memory_space<vmem>> -> memref<88x128xi32, #tpu.memory_space<vmem>>
        %dma_start3A_37 = arith.constant 0 : i32
        %dma_start3A_38 = tpu.memref_slice %arg3[%mul3A_27, %dma_start3A_37] : memref<2512x128xi32, #tpu.memory_space<hbm>> -> memref<88x128xi32, #tpu.memory_space<hbm>>
        tpu.enqueue_dma source(%dma_start3A_38 : memref<88x128xi32, #tpu.memory_space<hbm>>) target(%dma_start3A_36 : memref<88x128xi32, #tpu.memory_space<vmem>>) target_semaphore(%run_scoped3A : memref<!tpu.dma_semaphore, #tpu.memory_space<semaphore_mem>>)
        %dma_wait3A = arith.constant 0 : i32
        %dma_wait3A_39 = arith.constant 0 : i32
        %dma_wait3A_40 = tpu.memref_slice %arg8[%dma_wait3A, %dma_wait3A_39] : memref<88x128xi32, #tpu.memory_space<vmem>> -> memref<88x128xi32, #tpu.memory_space<vmem>>
        %dma_wait3A_41 = arith.constant 0 : i32
        %dma_wait3A_42 = tpu.memref_slice %arg3[%mul3A_27, %dma_wait3A_41] : memref<2512x128xi32, #tpu.memory_space<hbm>> -> memref<88x128xi32, #tpu.memory_space<hbm>>
        %dma_wait3A_43 = arith.constant 0 : i32
        %dma_wait3A_44 = arith.constant 0 : i32
        %dma_wait3A_45 = tpu.memref_slice %arg8[%dma_wait3A_43, %dma_wait3A_44] : memref<88x128xi32, #tpu.memory_space<vmem>> -> memref<88x128xi32, #tpu.memory_space<vmem>>
        %dma_wait3A_46 = arith.constant 0 : i32
        %dma_wait3A_47 = tpu.memref_slice %arg3[%mul3A_27, %dma_wait3A_46] : memref<2512x128xi32, #tpu.memory_space<hbm>> -> memref<88x128xi32, #tpu.memory_space<hbm>>
        tpu.wait_dma2 semaphore(%run_scoped3A : memref<!tpu.dma_semaphore, #tpu.memory_space<semaphore_mem>>) src(%dma_wait3A_47 : memref<88x128xi32, #tpu.memory_space<hbm>>) dst(%dma_wait3A_45 : memref<88x128xi32, #tpu.memory_space<vmem>>)
        tpu.yield
      }) : () -> ()
      %mul3A_28 = arith.constant 88 : i32
      %mul3A_29 = arith.muli %arg1, %mul3A_28 : i32
      "tpu.region"() ({
        %run_scoped3A = tpu.sem_alloc : memref<!tpu.dma_semaphore, #tpu.memory_space<semaphore_mem>>
        %dma_start3A = arith.constant 0 : i32
        %dma_start3A_30 = arith.constant 0 : i32
        %dma_start3A_31 = tpu.memref_slice %arg9[%dma_start3A, %dma_start3A_30] : memref<88x128xi32, #tpu.memory_space<vmem>> -> memref<88x128xi32, #tpu.memory_space<vmem>>
        %dma_start3A_32 = arith.constant 0 : i32
        %dma_start3A_33 = tpu.memref_slice %arg4[%mul3A_29, %dma_start3A_32] : memref<2512x128xi32, #tpu.memory_space<hbm>> -> memref<88x128xi32, #tpu.memory_space<hbm>>
        %dma_start3A_34 = arith.constant 0 : i32
        %dma_start3A_35 = arith.constant 0 : i32
        %dma_start3A_36 = tpu.memref_slice %arg9[%dma_start3A_34, %dma_start3A_35] : memref<88x128xi32, #tpu.memory_space<vmem>> -> memref<88x128xi32, #tpu.memory_space<vmem>>
        %dma_start3A_37 = arith.constant 0 : i32
        %dma_start3A_38 = tpu.memref_slice %arg4[%mul3A_29, %dma_start3A_37] : memref<2512x128xi32, #tpu.memory_space<hbm>> -> memref<88x128xi32, #tpu.memory_space<hbm>>
        tpu.enqueue_dma source(%dma_start3A_38 : memref<88x128xi32, #tpu.memory_space<hbm>>) target(%dma_start3A_36 : memref<88x128xi32, #tpu.memory_space<vmem>>) target_semaphore(%run_scoped3A : memref<!tpu.dma_semaphore, #tpu.memory_space<semaphore_mem>>)
        %dma_wait3A = arith.constant 0 : i32
        %dma_wait3A_39 = arith.constant 0 : i32
        %dma_wait3A_40 = tpu.memref_slice %arg9[%dma_wait3A, %dma_wait3A_39] : memref<88x128xi32, #tpu.memory_space<vmem>> -> memref<88x128xi32, #tpu.memory_space<vmem>>
        %dma_wait3A_41 = arith.constant 0 : i32
        %dma_wait3A_42 = tpu.memref_slice %arg4[%mul3A_29, %dma_wait3A_41] : memref<2512x128xi32, #tpu.memory_space<hbm>> -> memref<88x128xi32, #tpu.memory_space<hbm>>
        %dma_wait3A_43 = arith.constant 0 : i32
        %dma_wait3A_44 = arith.constant 0 : i32
        %dma_wait3A_45 = tpu.memref_slice %arg9[%dma_wait3A_43, %dma_wait3A_44] : memref<88x128xi32, #tpu.memory_space<vmem>> -> memref<88x128xi32, #tpu.memory_space<vmem>>
        %dma_wait3A_46 = arith.constant 0 : i32
        %dma_wait3A_47 = tpu.memref_slice %arg4[%mul3A_29, %dma_wait3A_46] : memref<2512x128xi32, #tpu.memory_space<hbm>> -> memref<88x128xi32, #tpu.memory_space<hbm>>
        tpu.wait_dma2 semaphore(%run_scoped3A : memref<!tpu.dma_semaphore, #tpu.memory_space<semaphore_mem>>) src(%dma_wait3A_47 : memref<88x128xi32, #tpu.memory_space<hbm>>) dst(%dma_wait3A_45 : memref<88x128xi32, #tpu.memory_space<vmem>>)
        tpu.yield
      }) : () -> ()
    } else {
    }
    %ne3A = arith.constant 0 : i32
    %ne3A_3 = arith.cmpi ne, %arg0, %ne3A : i32
    %convert_element_type3A_4 = arith.extui %ne3A_3 : i1 to i32
    %cond3A_5 = arith.constant 0 : i32
    %cond3A_6 = arith.cmpi ne, %convert_element_type3A_4, %cond3A_5 : i32
    scf.if %cond3A_6 {
      %mul3A_26 = arith.constant 69 : i32
      %mul3A_27 = arith.muli %arg1, %mul3A_26 : i32
      %add3A_28 = arith.constant 1408 : i32
      %add3A_29 = arith.addi %add3A_28, %mul3A_27 : i32
      "tpu.region"() ({
        %run_scoped3A = tpu.sem_alloc : memref<!tpu.dma_semaphore, #tpu.memory_space<semaphore_mem>>
        %dma_start3A = arith.constant 0 : i32
        %dma_start3A_34 = arith.constant 0 : i32
        %dma_start3A_35 = tpu.memref_slice %arg8[%dma_start3A, %dma_start3A_34] : memref<88x128xi32, #tpu.memory_space<vmem>> -> memref<69x128xi32, #tpu.memory_space<vmem>>
        %dma_start3A_36 = arith.constant 0 : i32
        %dma_start3A_37 = tpu.memref_slice %arg3[%add3A_29, %dma_start3A_36] : memref<2512x128xi32, #tpu.memory_space<hbm>> -> memref<69x128xi32, #tpu.memory_space<hbm>>
        %dma_start3A_38 = arith.constant 0 : i32
        %dma_start3A_39 = arith.constant 0 : i32
        %dma_start3A_40 = tpu.memref_slice %arg8[%dma_start3A_38, %dma_start3A_39] : memref<88x128xi32, #tpu.memory_space<vmem>> -> memref<69x128xi32, #tpu.memory_space<vmem>>
        %dma_start3A_41 = arith.constant 0 : i32
        %dma_start3A_42 = tpu.memref_slice %arg3[%add3A_29, %dma_start3A_41] : memref<2512x128xi32, #tpu.memory_space<hbm>> -> memref<69x128xi32, #tpu.memory_space<hbm>>
        tpu.enqueue_dma source(%dma_start3A_42 : memref<69x128xi32, #tpu.memory_space<hbm>>) target(%dma_start3A_40 : memref<69x128xi32, #tpu.memory_space<vmem>>) target_semaphore(%run_scoped3A : memref<!tpu.dma_semaphore, #tpu.memory_space<semaphore_mem>>)
        %dma_wait3A = arith.constant 0 : i32
        %dma_wait3A_43 = arith.constant 0 : i32
        %dma_wait3A_44 = tpu.memref_slice %arg8[%dma_wait3A, %dma_wait3A_43] : memref<88x128xi32, #tpu.memory_space<vmem>> -> memref<69x128xi32, #tpu.memory_space<vmem>>
        %dma_wait3A_45 = arith.constant 0 : i32
        %dma_wait3A_46 = tpu.memref_slice %arg3[%add3A_29, %dma_wait3A_45] : memref<2512x128xi32, #tpu.memory_space<hbm>> -> memref<69x128xi32, #tpu.memory_space<hbm>>
        %dma_wait3A_47 = arith.constant 0 : i32
        %dma_wait3A_48 = arith.constant 0 : i32
        %dma_wait3A_49 = tpu.memref_slice %arg8[%dma_wait3A_47, %dma_wait3A_48] : memref<88x128xi32, #tpu.memory_space<vmem>> -> memref<69x128xi32, #tpu.memory_space<vmem>>
        %dma_wait3A_50 = arith.constant 0 : i32
        %dma_wait3A_51 = tpu.memref_slice %arg3[%add3A_29, %dma_wait3A_50] : memref<2512x128xi32, #tpu.memory_space<hbm>> -> memref<69x128xi32, #tpu.memory_space<hbm>>
        tpu.wait_dma2 semaphore(%run_scoped3A : memref<!tpu.dma_semaphore, #tpu.memory_space<semaphore_mem>>) src(%dma_wait3A_51 : memref<69x128xi32, #tpu.memory_space<hbm>>) dst(%dma_wait3A_49 : memref<69x128xi32, #tpu.memory_space<vmem>>)
        tpu.yield
      }) : () -> ()
      %mul3A_30 = arith.constant 69 : i32
      %mul3A_31 = arith.muli %arg1, %mul3A_30 : i32
      %add3A_32 = arith.constant 1408 : i32
      %add3A_33 = arith.addi %add3A_32, %mul3A_31 : i32
      "tpu.region"() ({
        %run_scoped3A = tpu.sem_alloc : memref<!tpu.dma_semaphore, #tpu.memory_space<semaphore_mem>>
        %dma_start3A = arith.constant 0 : i32
        %dma_start3A_34 = arith.constant 0 : i32
        %dma_start3A_35 = tpu.memref_slice %arg9[%dma_start3A, %dma_start3A_34] : memref<88x128xi32, #tpu.memory_space<vmem>> -> memref<69x128xi32, #tpu.memory_space<vmem>>
        %dma_start3A_36 = arith.constant 0 : i32
        %dma_start3A_37 = tpu.memref_slice %arg4[%add3A_33, %dma_start3A_36] : memref<2512x128xi32, #tpu.memory_space<hbm>> -> memref<69x128xi32, #tpu.memory_space<hbm>>
        %dma_start3A_38 = arith.constant 0 : i32
        %dma_start3A_39 = arith.constant 0 : i32
        %dma_start3A_40 = tpu.memref_slice %arg9[%dma_start3A_38, %dma_start3A_39] : memref<88x128xi32, #tpu.memory_space<vmem>> -> memref<69x128xi32, #tpu.memory_space<vmem>>
        %dma_start3A_41 = arith.constant 0 : i32
        %dma_start3A_42 = tpu.memref_slice %arg4[%add3A_33, %dma_start3A_41] : memref<2512x128xi32, #tpu.memory_space<hbm>> -> memref<69x128xi32, #tpu.memory_space<hbm>>
        tpu.enqueue_dma source(%dma_start3A_42 : memref<69x128xi32, #tpu.memory_space<hbm>>) target(%dma_start3A_40 : memref<69x128xi32, #tpu.memory_space<vmem>>) target_semaphore(%run_scoped3A : memref<!tpu.dma_semaphore, #tpu.memory_space<semaphore_mem>>)
        %dma_wait3A = arith.constant 0 : i32
        %dma_wait3A_43 = arith.constant 0 : i32
        %dma_wait3A_44 = tpu.memref_slice %arg9[%dma_wait3A, %dma_wait3A_43] : memref<88x128xi32, #tpu.memory_space<vmem>> -> memref<69x128xi32, #tpu.memory_space<vmem>>
        %dma_wait3A_45 = arith.constant 0 : i32
        %dma_wait3A_46 = tpu.memref_slice %arg4[%add3A_33, %dma_wait3A_45] : memref<2512x128xi32, #tpu.memory_space<hbm>> -> memref<69x128xi32, #tpu.memory_space<hbm>>
        %dma_wait3A_47 = arith.constant 0 : i32
        %dma_wait3A_48 = arith.constant 0 : i32
        %dma_wait3A_49 = tpu.memref_slice %arg9[%dma_wait3A_47, %dma_wait3A_48] : memref<88x128xi32, #tpu.memory_space<vmem>> -> memref<69x128xi32, #tpu.memory_space<vmem>>
        %dma_wait3A_50 = arith.constant 0 : i32
        %dma_wait3A_51 = tpu.memref_slice %arg4[%add3A_33, %dma_wait3A_50] : memref<2512x128xi32, #tpu.memory_space<hbm>> -> memref<69x128xi32, #tpu.memory_space<hbm>>
        tpu.wait_dma2 semaphore(%run_scoped3A : memref<!tpu.dma_semaphore, #tpu.memory_space<semaphore_mem>>) src(%dma_wait3A_51 : memref<69x128xi32, #tpu.memory_space<hbm>>) dst(%dma_wait3A_49 : memref<69x128xi32, #tpu.memory_space<vmem>>)
        tpu.yield
      }) : () -> ()
    } else {
    }
    %barrier3A = arith.constant 0 : index
    tpu.barrier barrier_id(%barrier3A)
    %eq3A_7 = arith.constant 0 : i32
    %eq3A_8 = arith.cmpi eq, %arg0, %eq3A_7 : i32
    %jit3A = arith.constant 88 : i32
    %jit3A_9 = arith.constant 69 : i32
    %select_n3A = arith.select %eq3A_8, %jit3A, %jit3A_9 : i32
    %sub3A = arith.constant 0 : i32
    %sub3A_10 = arith.subi %select_n3A, %sub3A : i32
    %sub3A_11 = arith.constant 1 : i32
    %sub3A_12 = arith.constant 1 : i32
    %sub3A_13 = arith.subi %sub3A_11, %sub3A_12 : i32
    %add3A = arith.addi %sub3A_10, %sub3A_13 : i32
    %div3A = arith.constant 1 : i32
    %div3A_14 = arith.divsi %add3A, %div3A : i32
    %while3A = arith.constant 1 : i32
    %while3A_15 = arith.constant 0 : i32
    %while3A_16 = arith.constant 0 : i32
    %while3A_17 = arith.subi %div3A_14, %while3A_16 : i32
    %while3A_18 = arith.addi %while3A_16, %while3A_17 : i32
    %while3A_19 = arith.constant 1 : i32
    %while3A_20 = arith.divsi %while3A_17, %while3A_19 : i32
    %while3A_21 = arith.muli %while3A_20, %while3A_19 : i32
    %while3A_22 = arith.addi %while3A_16, %while3A_21 : i32
    %while3A_23 = arith.constant 1 : i32
    scf.for %while3A_26 = %while3A_16 to %while3A_22 step %while3A_23  : i32 {
      %mul3A_27 = arith.muli %while3A_26, %while3A : i32
      %add3A_28 = arith.addi %while3A_15, %mul3A_27 : i32
      %dma_start3A = arith.constant 0 : i32
      %dma_start3A_29 = tpu.memref_slice %arg8[%add3A_28, %dma_start3A] : memref<88x128xi32, #tpu.memory_space<vmem>> -> memref<1x128xi32, #tpu.memory_space<vmem>>
      %dma_start3A_30 = tpu.memref_squeeze %dma_start3A_29 : memref<1x128xi32, #tpu.memory_space<vmem>> -> memref<128xi32, #tpu.memory_space<vmem>>
      %dma_start3A_31 = arith.constant 0 : i32
      %dma_start3A_32 = arith.constant 0 : i32
      %dma_start3A_33 = tpu.memref_slice %arg2[%dma_start3A_31, %dma_start3A_32] : memref<10240x64xbf16, #tpu.memory_space<hbm>> -> memref<10240x64xbf16, #tpu.memory_space<hbm>>
      tpu.enqueue_indirect_dma source(%dma_start3A_33 : memref<10240x64xbf16, #tpu.memory_space<hbm>>) target(%arg10 : memref<128x64xbf16, #tpu.memory_space<vmem>>) offsets(%dma_start3A_30 : memref<128xi32, #tpu.memory_space<vmem>>) semaphore(%arg11 : memref<!tpu.dma_semaphore, #tpu.memory_space<semaphore_mem>>)
      %dma_wait3A = arith.constant 0 : i32
      %dma_wait3A_34 = tpu.memref_slice %arg8[%add3A_28, %dma_wait3A] : memref<88x128xi32, #tpu.memory_space<vmem>> -> memref<1x128xi32, #tpu.memory_space<vmem>>
      %dma_wait3A_35 = tpu.memref_squeeze %dma_wait3A_34 : memref<1x128xi32, #tpu.memory_space<vmem>> -> memref<128xi32, #tpu.memory_space<vmem>>
      %dma_wait3A_36 = arith.constant 0 : i32
      %dma_wait3A_37 = arith.constant 0 : i32
      %dma_wait3A_38 = tpu.memref_slice %arg2[%dma_wait3A_36, %dma_wait3A_37] : memref<10240x64xbf16, #tpu.memory_space<hbm>> -> memref<10240x64xbf16, #tpu.memory_space<hbm>>
      tpu.wait_indirect_dma semaphore(%arg11 : memref<!tpu.dma_semaphore, #tpu.memory_space<semaphore_mem>>) src(%dma_wait3A_38 : memref<10240x64xbf16, #tpu.memory_space<hbm>>) dst(%arg10 : memref<128x64xbf16, #tpu.memory_space<vmem>>)
      "tpu.region"() ({
        %run_scoped3A = tpu.sem_alloc : memref<!tpu.dma_semaphore, #tpu.memory_space<semaphore_mem>>
        %dma_start3A_39 = arith.constant 0 : i32
        %dma_start3A_40 = tpu.memref_slice %arg9[%add3A_28, %dma_start3A_39] : memref<88x128xi32, #tpu.memory_space<vmem>> -> memref<1x128xi32, #tpu.memory_space<vmem>>
        %dma_start3A_41 = tpu.memref_squeeze %dma_start3A_40 : memref<1x128xi32, #tpu.memory_space<vmem>> -> memref<128xi32, #tpu.memory_space<vmem>>
        %dma_start3A_42 = arith.constant 0 : i32
        %dma_start3A_43 = arith.constant 0 : i32
        %dma_start3A_44 = tpu.memref_slice %arg7[%dma_start3A_42, %dma_start3A_43] : memref<10240x64xbf16, #tpu.memory_space<vmem_shared>> -> memref<10240x64xbf16, #tpu.memory_space<vmem_shared>>
        tpu.enqueue_indirect_dma source(%arg10 : memref<128x64xbf16, #tpu.memory_space<vmem>>) target(%dma_start3A_44 : memref<10240x64xbf16, #tpu.memory_space<vmem_shared>>) offsets(%dma_start3A_41 : memref<128xi32, #tpu.memory_space<vmem>>) semaphore(%run_scoped3A : memref<!tpu.dma_semaphore, #tpu.memory_space<semaphore_mem>>) {add = true}
        %dma_wait3A_45 = arith.constant 0 : i32
        %dma_wait3A_46 = tpu.memref_slice %arg9[%add3A_28, %dma_wait3A_45] : memref<88x128xi32, #tpu.memory_space<vmem>> -> memref<1x128xi32, #tpu.memory_space<vmem>>
        %dma_wait3A_47 = tpu.memref_squeeze %dma_wait3A_46 : memref<1x128xi32, #tpu.memory_space<vmem>> -> memref<128xi32, #tpu.memory_space<vmem>>
        %dma_wait3A_48 = arith.constant 0 : i32
        %dma_wait3A_49 = arith.constant 0 : i32
        %dma_wait3A_50 = tpu.memref_slice %arg7[%dma_wait3A_48, %dma_wait3A_49] : memref<10240x64xbf16, #tpu.memory_space<vmem_shared>> -> memref<10240x64xbf16, #tpu.memory_space<vmem_shared>>
        tpu.wait_indirect_dma semaphore(%run_scoped3A : memref<!tpu.dma_semaphore, #tpu.memory_space<semaphore_mem>>) src(%arg10 : memref<128x64xbf16, #tpu.memory_space<vmem>>) dst(%dma_wait3A_50 : memref<10240x64xbf16, #tpu.memory_space<vmem_shared>>)
        tpu.yield
      }) : () -> ()
    }
    %while3A_24 = arith.constant 1 : i32
    scf.for %while3A_26 = %while3A_22 to %while3A_18 step %while3A_24  : i32 {
      %mul3A_27 = arith.muli %while3A_26, %while3A : i32
      %add3A_28 = arith.addi %while3A_15, %mul3A_27 : i32
      %dma_start3A = arith.constant 0 : i32
      %dma_start3A_29 = tpu.memref_slice %arg8[%add3A_28, %dma_start3A] : memref<88x128xi32, #tpu.memory_space<vmem>> -> memref<1x128xi32, #tpu.memory_space<vmem>>
      %dma_start3A_30 = tpu.memref_squeeze %dma_start3A_29 : memref<1x128xi32, #tpu.memory_space<vmem>> -> memref<128xi32, #tpu.memory_space<vmem>>
      %dma_start3A_31 = arith.constant 0 : i32
      %dma_start3A_32 = arith.constant 0 : i32
      %dma_start3A_33 = tpu.memref_slice %arg2[%dma_start3A_31, %dma_start3A_32] : memref<10240x64xbf16, #tpu.memory_space<hbm>> -> memref<10240x64xbf16, #tpu.memory_space<hbm>>
      tpu.enqueue_indirect_dma source(%dma_start3A_33 : memref<10240x64xbf16, #tpu.memory_space<hbm>>) target(%arg10 : memref<128x64xbf16, #tpu.memory_space<vmem>>) offsets(%dma_start3A_30 : memref<128xi32, #tpu.memory_space<vmem>>) semaphore(%arg11 : memref<!tpu.dma_semaphore, #tpu.memory_space<semaphore_mem>>)
      %dma_wait3A = arith.constant 0 : i32
      %dma_wait3A_34 = tpu.memref_slice %arg8[%add3A_28, %dma_wait3A] : memref<88x128xi32, #tpu.memory_space<vmem>> -> memref<1x128xi32, #tpu.memory_space<vmem>>
      %dma_wait3A_35 = tpu.memref_squeeze %dma_wait3A_34 : memref<1x128xi32, #tpu.memory_space<vmem>> -> memref<128xi32, #tpu.memory_space<vmem>>
      %dma_wait3A_36 = arith.constant 0 : i32
      %dma_wait3A_37 = arith.constant 0 : i32
      %dma_wait3A_38 = tpu.memref_slice %arg2[%dma_wait3A_36, %dma_wait3A_37] : memref<10240x64xbf16, #tpu.memory_space<hbm>> -> memref<10240x64xbf16, #tpu.memory_space<hbm>>
      tpu.wait_indirect_dma semaphore(%arg11 : memref<!tpu.dma_semaphore, #tpu.memory_space<semaphore_mem>>) src(%dma_wait3A_38 : memref<10240x64xbf16, #tpu.memory_space<hbm>>) dst(%arg10 : memref<128x64xbf16, #tpu.memory_space<vmem>>)
      "tpu.region"() ({
        %run_scoped3A = tpu.sem_alloc : memref<!tpu.dma_semaphore, #tpu.memory_space<semaphore_mem>>
        %dma_start3A_39 = arith.constant 0 : i32
        %dma_start3A_40 = tpu.memref_slice %arg9[%add3A_28, %dma_start3A_39] : memref<88x128xi32, #tpu.memory_space<vmem>> -> memref<1x128xi32, #tpu.memory_space<vmem>>
        %dma_start3A_41 = tpu.memref_squeeze %dma_start3A_40 : memref<1x128xi32, #tpu.memory_space<vmem>> -> memref<128xi32, #tpu.memory_space<vmem>>
        %dma_start3A_42 = arith.constant 0 : i32
        %dma_start3A_43 = arith.constant 0 : i32
        %dma_start3A_44 = tpu.memref_slice %arg7[%dma_start3A_42, %dma_start3A_43] : memref<10240x64xbf16, #tpu.memory_space<vmem_shared>> -> memref<10240x64xbf16, #tpu.memory_space<vmem_shared>>
        tpu.enqueue_indirect_dma source(%arg10 : memref<128x64xbf16, #tpu.memory_space<vmem>>) target(%dma_start3A_44 : memref<10240x64xbf16, #tpu.memory_space<vmem_shared>>) offsets(%dma_start3A_41 : memref<128xi32, #tpu.memory_space<vmem>>) semaphore(%run_scoped3A : memref<!tpu.dma_semaphore, #tpu.memory_space<semaphore_mem>>) {add = true}
        %dma_wait3A_45 = arith.constant 0 : i32
        %dma_wait3A_46 = tpu.memref_slice %arg9[%add3A_28, %dma_wait3A_45] : memref<88x128xi32, #tpu.memory_space<vmem>> -> memref<1x128xi32, #tpu.memory_space<vmem>>
        %dma_wait3A_47 = tpu.memref_squeeze %dma_wait3A_46 : memref<1x128xi32, #tpu.memory_space<vmem>> -> memref<128xi32, #tpu.memory_space<vmem>>
        %dma_wait3A_48 = arith.constant 0 : i32
        %dma_wait3A_49 = arith.constant 0 : i32
        %dma_wait3A_50 = tpu.memref_slice %arg7[%dma_wait3A_48, %dma_wait3A_49] : memref<10240x64xbf16, #tpu.memory_space<vmem_shared>> -> memref<10240x64xbf16, #tpu.memory_space<vmem_shared>>
        tpu.wait_indirect_dma semaphore(%run_scoped3A : memref<!tpu.dma_semaphore, #tpu.memory_space<semaphore_mem>>) src(%arg10 : memref<128x64xbf16, #tpu.memory_space<vmem>>) dst(%dma_wait3A_50 : memref<10240x64xbf16, #tpu.memory_space<vmem_shared>>)
        tpu.yield
      }) : () -> ()
    }
    %barrier3A_25 = arith.constant 0 : index
    tpu.barrier barrier_id(%barrier3A_25)
    "tpu.region"() ({
      %run_scoped3A = tpu.sem_alloc : memref<!tpu.dma_semaphore, #tpu.memory_space<semaphore_mem>>
      %dma_start3A = arith.constant 0 : i32
      %dma_start3A_26 = tpu.memref_slice %arg6[%arg0, %mul3A_0, %dma_start3A] : memref<2x10240x64xbf16, #tpu.memory_space<hbm>> -> memref<1x640x64xbf16, #tpu.memory_space<hbm>>
      %dma_start3A_27 = tpu.memref_squeeze %dma_start3A_26 : memref<1x640x64xbf16, #tpu.memory_space<hbm>> -> memref<640x64xbf16, #tpu.memory_space<hbm>>
      %dma_start3A_28 = arith.constant 0 : i32
      %dma_start3A_29 = tpu.memref_slice %arg7[%mul3A_0, %dma_start3A_28] : memref<10240x64xbf16, #tpu.memory_space<vmem_shared>> -> memref<640x64xbf16, #tpu.memory_space<vmem_shared>>
      tpu.enqueue_dma source(%dma_start3A_29 : memref<640x64xbf16, #tpu.memory_space<vmem_shared>>) target(%dma_start3A_27 : memref<640x64xbf16, #tpu.memory_space<hbm>>) target_semaphore(%run_scoped3A : memref<!tpu.dma_semaphore, #tpu.memory_space<semaphore_mem>>)
      %dma_wait3A = arith.constant 0 : i32
      %dma_wait3A_30 = tpu.memref_slice %arg6[%arg0, %mul3A_0, %dma_wait3A] : memref<2x10240x64xbf16, #tpu.memory_space<hbm>> -> memref<1x640x64xbf16, #tpu.memory_space<hbm>>
      %dma_wait3A_31 = tpu.memref_squeeze %dma_wait3A_30 : memref<1x640x64xbf16, #tpu.memory_space<hbm>> -> memref<640x64xbf16, #tpu.memory_space<hbm>>
      %dma_wait3A_32 = arith.constant 0 : i32
      %dma_wait3A_33 = tpu.memref_slice %arg7[%mul3A_0, %dma_wait3A_32] : memref<10240x64xbf16, #tpu.memory_space<vmem_shared>> -> memref<640x64xbf16, #tpu.memory_space<vmem_shared>>
      tpu.wait_dma2 semaphore(%run_scoped3A : memref<!tpu.dma_semaphore, #tpu.memory_space<semaphore_mem>>) src(%dma_wait3A_33 : memref<640x64xbf16, #tpu.memory_space<vmem_shared>>) dst(%dma_wait3A_31 : memref<640x64xbf16, #tpu.memory_space<hbm>>)
      tpu.yield
    }) : () -> ()
    return
  }
}

module attributes {stable_mosaic.version = 14 : i64} {
  func.func @body(%arg0: i32, %arg1: memref<1024x128xf32, #tpu.memory_space<vmem>>, %arg2: memref<128x128xf32, #tpu.memory_space<vmem>>, %arg3: memref<1024x128xbf16, #tpu.memory_space<vmem>>) attributes {dimension_semantics = [#tpu.dimension_semantics<arbitrary>], iteration_bounds = array<i64: 10>, scalar_prefetch = 0 : i64, scratch_operands = 0 : i64, tpu.core_type = #tpu.core_type<tc>, window_params = [{transform_indices = @transform_0, window_bounds = array<i64: 1024, 128>}, {pipeline_mode = #tpu.pipeline_mode<synchronous>, transform_indices = @transform_1, window_bounds = array<i64: 128, 128>}, {transform_indices = @transform_2, window_bounds = array<i64: 1024, 128>}]} {
    %get3A = arith.constant 0 : index
    %get3A_0 = arith.constant 0 : index
    %get3A_1 = vector.load %arg1[%get3A, %get3A_0] : memref<1024x128xf32, #tpu.memory_space<vmem>>, vector<1024x128xf32>
    %get3A_2 = arith.constant 0 : index
    %get3A_3 = arith.constant 0 : index
    %get3A_4 = vector.load %arg2[%get3A_2, %get3A_3] : memref<128x128xf32, #tpu.memory_space<vmem>>, vector<128x128xf32>
    %dot_general3A = arith.constant dense<0.000000e+00> : vector<1024x128xf32>
    %dot_general3A_5 = tpu.matmul %get3A_1, %get3A_4, %dot_general3A {dimension_numbers = #tpu.dot_dimension_numbers<[1], [0], [0], [1], [0, 0, 1, 1], [], []>, transpose_lhs_hint = false} : vector<1024x128xf32>, vector<128x128xf32>, vector<1024x128xf32> -> vector<1024x128xf32>
    %convert_element_type3A = arith.truncf %dot_general3A_5 : vector<1024x128xf32> to vector<1024x128xbf16>
    %swap3A = arith.constant 0 : index
    %swap3A_6 = arith.constant 0 : index
    %swap3A_7 = vector.load %arg3[%swap3A, %swap3A_6] : memref<1024x128xbf16, #tpu.memory_space<vmem>>, vector<1024x128xbf16>
    tpu.vector_store %arg3[%swap3A, %swap3A_6], %convert_element_type3A {strides = array<i32>} : memref<1024x128xbf16, #tpu.memory_space<vmem>>, vector<1024x128xbf16>,
    return
  }
  func.func @transform_0(%arg0: i32) -> (i32, i32) {
    %c0_i32 = arith.constant 0 : i32
    %c0_i32_0 = arith.constant 0 : i32
    return %arg0, %c0_i32 : i32, i32
  }
  func.func @transform_1(%arg0: i32) -> (i32, i32) {
    %c0_i32 = arith.constant 0 : i32
    %c0_i32_0 = arith.constant 0 : i32
    %c0_i32_1 = arith.constant 0 : i32
    return %c0_i32, %c0_i32_0 : i32, i32
  }
  func.func @transform_2(%arg0: i32) -> (i32, i32) {
    %c0_i32 = arith.constant 0 : i32
    %c0_i32_0 = arith.constant 0 : i32
    return %arg0, %c0_i32 : i32, i32
  }
}

module attributes {stable_mosaic.version = 14 : i64} {
  func.func @body(%arg0: i32, %arg1: memref<1024x128xf32, #tpu.memory_space<vmem>>, %arg2: memref<128x128xf32, #tpu.memory_space<vmem>>, %arg3: memref<2x1024x128xbf16, #tpu.memory_space<vmem>>, %arg4: memref<1x128xf32, #tpu.memory_space<vmem>>, %arg5: memref<128x64xf32, #tpu.memory_space<vmem>>, %arg6: memref<1024x128xf32, #tpu.memory_space<vmem>>, %arg7: memref<1024x64xbf16, #tpu.memory_space<vmem>>) attributes {dimension_semantics = [#tpu.dimension_semantics<arbitrary>], iteration_bounds = array<i64: 10>, scalar_prefetch = 0 : i64, scratch_operands = 0 : i64, tpu.core_type = #tpu.core_type<tc>, window_params = [{transform_indices = @transform_0, window_bounds = array<i64: 1024, 128>}, {pipeline_mode = #tpu.pipeline_mode<synchronous>, transform_indices = @transform_1, window_bounds = array<i64: 128, 128>}, {transform_indices = @transform_2, window_bounds = array<i64: 2, 1024, 128>}, {pipeline_mode = #tpu.pipeline_mode<synchronous>, transform_indices = @transform_3, window_bounds = array<i64: 1, 128>}, {pipeline_mode = #tpu.pipeline_mode<synchronous>, transform_indices = @transform_4, window_bounds = array<i64: 128, 64>}, {transform_indices = @transform_5, window_bounds = array<i64: 1024, 128>}, {transform_indices = @transform_6, window_bounds = array<i64: 1024, 64>}]} {
    %get3A = arith.constant 0 : index
    %get3A_0 = arith.constant 0 : index
    %get3A_1 = vector.load %arg1[%get3A, %get3A_0] : memref<1024x128xf32, #tpu.memory_space<vmem>>, vector<1024x128xf32>
    %get3A_2 = arith.constant 0 : index
    %get3A_3 = arith.constant 0 : index
    %get3A_4 = vector.load %arg2[%get3A_2, %get3A_3] : memref<128x128xf32, #tpu.memory_space<vmem>>, vector<128x128xf32>
    %dot_general3A = arith.constant dense<0.000000e+00> : vector<1024x128xf32>
    %dot_general3A_5 = tpu.matmul %get3A_1, %get3A_4, %dot_general3A {dimension_numbers = #tpu.dot_dimension_numbers<[1], [0], [0], [1], [0, 0, 1, 1], [], []>, transpose_lhs_hint = false} : vector<1024x128xf32>, vector<128x128xf32>, vector<1024x128xf32> -> vector<1024x128xf32>
    %get3A_6 = arith.constant 0 : index
    %get3A_7 = arith.constant 0 : index
    %get3A_8 = arith.constant 0 : index
    %get3A_9 = vector.load %arg3[%get3A_6, %get3A_7, %get3A_8] : memref<2x1024x128xbf16, #tpu.memory_space<vmem>>, vector<1x1024x128xbf16>
    %get3A_10 = vector.shape_cast %get3A_9 : vector<1x1024x128xbf16> to vector<1024x128xbf16>
    %get3A_11 = arith.constant 1 : index
    %get3A_12 = arith.constant 0 : index
    %get3A_13 = arith.constant 0 : index
    %get3A_14 = vector.load %arg3[%get3A_11, %get3A_12, %get3A_13] : memref<2x1024x128xbf16, #tpu.memory_space<vmem>>, vector<1x1024x128xbf16>
    %get3A_15 = vector.shape_cast %get3A_14 : vector<1x1024x128xbf16> to vector<1024x128xbf16>
    %add3A = arith.addf %get3A_10, %get3A_15 : vector<1024x128xbf16>
    %convert_element_type3A = arith.extf %add3A : vector<1024x128xbf16> to vector<1024x128xf32>
    %add3A_16 = arith.addf %dot_general3A_5, %convert_element_type3A : vector<1024x128xf32>
    %get3A_17 = arith.constant 0 : index
    %get3A_18 = arith.constant 0 : index
    %get3A_19 = vector.load %arg4[%get3A_17, %get3A_18] : memref<1x128xf32, #tpu.memory_space<vmem>>, vector<1x128xf32>
    %add3A_20 = vector.broadcast %get3A_19 : vector<1x128xf32> to vector<1024x128xf32>
    %add3A_21 = arith.addf %add3A_16, %add3A_20 : vector<1024x128xf32>
    %max3A = arith.constant 0.000000e+00 : f32
    %max3A_22 = vector.broadcast %max3A : f32 to vector<1024x128xf32>
    %max3A_23 = arith.maximumf %add3A_21, %max3A_22 : vector<1024x128xf32>
    %swap3A = arith.constant 0 : index
    %swap3A_24 = arith.constant 0 : index
    %swap3A_25 = vector.load %arg6[%swap3A, %swap3A_24] : memref<1024x128xf32, #tpu.memory_space<vmem>>, vector<1024x128xf32>
    tpu.vector_store %arg6[%swap3A, %swap3A_24], %max3A_23 {strides = array<i32>} : memref<1024x128xf32, #tpu.memory_space<vmem>>, vector<1024x128xf32>,
    %get3A_26 = arith.constant 0 : index
    %get3A_27 = arith.constant 0 : index
    %get3A_28 = vector.load %arg5[%get3A_26, %get3A_27] : memref<128x64xf32, #tpu.memory_space<vmem>>, vector<128x64xf32>
    %dot_general3A_29 = arith.constant dense<0.000000e+00> : vector<1024x64xf32>
    %dot_general3A_30 = tpu.matmul %max3A_23, %get3A_28, %dot_general3A_29 {dimension_numbers = #tpu.dot_dimension_numbers<[1], [0], [0], [1], [0, 0, 1, 1], [], []>, transpose_lhs_hint = false} : vector<1024x128xf32>, vector<128x64xf32>, vector<1024x64xf32> -> vector<1024x64xf32>
    %convert_element_type3A_31 = arith.truncf %dot_general3A_30 : vector<1024x64xf32> to vector<1024x64xbf16>
    %swap3A_32 = arith.constant 0 : index
    %swap3A_33 = arith.constant 0 : index
    %swap3A_34 = vector.load %arg7[%swap3A_32, %swap3A_33] : memref<1024x64xbf16, #tpu.memory_space<vmem>>, vector<1024x64xbf16>
    tpu.vector_store %arg7[%swap3A_32, %swap3A_33], %convert_element_type3A_31 {strides = array<i32>} : memref<1024x64xbf16, #tpu.memory_space<vmem>>, vector<1024x64xbf16>,
    return
  }
  func.func @transform_0(%arg0: i32) -> (i32, i32) {
    %c0_i32 = arith.constant 0 : i32
    %c0_i32_0 = arith.constant 0 : i32
    return %arg0, %c0_i32 : i32, i32
  }
  func.func @transform_1(%arg0: i32) -> (i32, i32) {
    %c0_i32 = arith.constant 0 : i32
    %c0_i32_0 = arith.constant 0 : i32
    %c0_i32_1 = arith.constant 0 : i32
    return %c0_i32, %c0_i32_0 : i32, i32
  }
  func.func @transform_2(%arg0: i32) -> (i32, i32, i32) {
    %c0_i32 = arith.constant 0 : i32
    %c0_i32_0 = arith.constant 0 : i32
    %c0_i32_1 = arith.constant 0 : i32
    return %c0_i32, %arg0, %c0_i32_0 : i32, i32, i32
  }
  func.func @transform_3(%arg0: i32) -> (i32, i32) {
    %c0_i32 = arith.constant 0 : i32
    %c0_i32_0 = arith.constant 0 : i32
    %c0_i32_1 = arith.constant 0 : i32
    return %c0_i32, %c0_i32_0 : i32, i32
  }
  func.func @transform_4(%arg0: i32) -> (i32, i32) {
    %c0_i32 = arith.constant 0 : i32
    %c0_i32_0 = arith.constant 0 : i32
    %c0_i32_1 = arith.constant 0 : i32
    return %c0_i32, %c0_i32_0 : i32, i32
  }
  func.func @transform_5(%arg0: i32) -> (i32, i32) {
    %c0_i32 = arith.constant 0 : i32
    %c0_i32_0 = arith.constant 0 : i32
    return %arg0, %c0_i32 : i32, i32
  }
  func.func @transform_6(%arg0: i32) -> (i32, i32) {
    %c0_i32 = arith.constant 0 : i32
    %c0_i32_0 = arith.constant 0 : i32
    return %arg0, %c0_i32 : i32, i32
  }
}

module attributes {stable_mosaic.version = 14 : i64} {
  func.func @body(%arg0: i32, %arg1: memref<1024x128xf32, #tpu.memory_space<vmem>>, %arg2: memref<128x64xf32, #tpu.memory_space<vmem>>, %arg3: memref<2x1024x64xbf16, #tpu.memory_space<vmem>>, %arg4: memref<1x64xf32, #tpu.memory_space<vmem>>, %arg5: memref<1024x64xf32, #tpu.memory_space<vmem>>) attributes {dimension_semantics = [#tpu.dimension_semantics<arbitrary>], iteration_bounds = array<i64: 10>, scalar_prefetch = 0 : i64, scratch_operands = 0 : i64, tpu.core_type = #tpu.core_type<tc>, window_params = [{transform_indices = @transform_0, window_bounds = array<i64: 1024, 128>}, {pipeline_mode = #tpu.pipeline_mode<synchronous>, transform_indices = @transform_1, window_bounds = array<i64: 128, 64>}, {transform_indices = @transform_2, window_bounds = array<i64: 2, 1024, 64>}, {pipeline_mode = #tpu.pipeline_mode<synchronous>, transform_indices = @transform_3, window_bounds = array<i64: 1, 64>}, {transform_indices = @transform_4, window_bounds = array<i64: 1024, 64>}]} {
    %get3A = arith.constant 0 : index
    %get3A_0 = arith.constant 0 : index
    %get3A_1 = vector.load %arg1[%get3A, %get3A_0] : memref<1024x128xf32, #tpu.memory_space<vmem>>, vector<1024x128xf32>
    %get3A_2 = arith.constant 0 : index
    %get3A_3 = arith.constant 0 : index
    %get3A_4 = vector.load %arg2[%get3A_2, %get3A_3] : memref<128x64xf32, #tpu.memory_space<vmem>>, vector<128x64xf32>
    %dot_general3A = arith.constant dense<0.000000e+00> : vector<1024x64xf32>
    %dot_general3A_5 = tpu.matmul %get3A_1, %get3A_4, %dot_general3A {dimension_numbers = #tpu.dot_dimension_numbers<[1], [0], [0], [1], [0, 0, 1, 1], [], []>, transpose_lhs_hint = false} : vector<1024x128xf32>, vector<128x64xf32>, vector<1024x64xf32> -> vector<1024x64xf32>
    %get3A_6 = arith.constant 0 : index
    %get3A_7 = arith.constant 0 : index
    %get3A_8 = arith.constant 0 : index
    %get3A_9 = vector.load %arg3[%get3A_6, %get3A_7, %get3A_8] : memref<2x1024x64xbf16, #tpu.memory_space<vmem>>, vector<1x1024x64xbf16>
    %get3A_10 = vector.shape_cast %get3A_9 : vector<1x1024x64xbf16> to vector<1024x64xbf16>
    %get3A_11 = arith.constant 1 : index
    %get3A_12 = arith.constant 0 : index
    %get3A_13 = arith.constant 0 : index
    %get3A_14 = vector.load %arg3[%get3A_11, %get3A_12, %get3A_13] : memref<2x1024x64xbf16, #tpu.memory_space<vmem>>, vector<1x1024x64xbf16>
    %get3A_15 = vector.shape_cast %get3A_14 : vector<1x1024x64xbf16> to vector<1024x64xbf16>
    %add3A = arith.addf %get3A_10, %get3A_15 : vector<1024x64xbf16>
    %convert_element_type3A = arith.extf %add3A : vector<1024x64xbf16> to vector<1024x64xf32>
    %add3A_16 = arith.addf %dot_general3A_5, %convert_element_type3A : vector<1024x64xf32>
    %get3A_17 = arith.constant 0 : index
    %get3A_18 = arith.constant 0 : index
    %get3A_19 = vector.load %arg4[%get3A_17, %get3A_18] : memref<1x64xf32, #tpu.memory_space<vmem>>, vector<1x64xf32>
    %add3A_20 = vector.broadcast %get3A_19 : vector<1x64xf32> to vector<1024x64xf32>
    %add3A_21 = arith.addf %add3A_16, %add3A_20 : vector<1024x64xf32>
    %swap3A = arith.constant 0 : index
    %swap3A_22 = arith.constant 0 : index
    %swap3A_23 = vector.load %arg5[%swap3A, %swap3A_22] : memref<1024x64xf32, #tpu.memory_space<vmem>>, vector<1024x64xf32>
    tpu.vector_store %arg5[%swap3A, %swap3A_22], %add3A_21 {strides = array<i32>} : memref<1024x64xf32, #tpu.memory_space<vmem>>, vector<1024x64xf32>,
    return
  }
  func.func @transform_0(%arg0: i32) -> (i32, i32) {
    %c0_i32 = arith.constant 0 : i32
    %c0_i32_0 = arith.constant 0 : i32
    return %arg0, %c0_i32 : i32, i32
  }
  func.func @transform_1(%arg0: i32) -> (i32, i32) {
    %c0_i32 = arith.constant 0 : i32
    %c0_i32_0 = arith.constant 0 : i32
    %c0_i32_1 = arith.constant 0 : i32
    return %c0_i32, %c0_i32_0 : i32, i32
  }
  func.func @transform_2(%arg0: i32) -> (i32, i32, i32) {
    %c0_i32 = arith.constant 0 : i32
    %c0_i32_0 = arith.constant 0 : i32
    %c0_i32_1 = arith.constant 0 : i32
    return %c0_i32, %arg0, %c0_i32_0 : i32, i32, i32
  }
  func.func @transform_3(%arg0: i32) -> (i32, i32) {
    %c0_i32 = arith.constant 0 : i32
    %c0_i32_0 = arith.constant 0 : i32
    %c0_i32_1 = arith.constant 0 : i32
    return %c0_i32, %c0_i32_0 : i32, i32
  }
  func.func @transform_4(%arg0: i32) -> (i32, i32) {
    %c0_i32 = arith.constant 0 : i32
    %c0_i32_0 = arith.constant 0 : i32
    return %arg0, %c0_i32 : i32, i32
  }
}

</mosaic_0001>

<sc_bundles>
// kernel: kernel.10.cloned.1.call-start
scs
__scs_entry_jumppad:
0x0: {  	(pc) =	sbr.rel $0x88, $3  }
0x1: {  	(tag) =	ssettag $0x0;
	lr =	simm.s32 $0x1  }
0x2: {  	[smem:$0x3F99] =	sst lr;
	_ =	strace $0xD0000000  }
0x3: {  	_ = 	snop  }
0x4: {  	_ = 	snop  }
0x5: {  	_ = 	snop  }
0x6: {  	_ = 	snop  }
0x7: {  	_ = 	snop  }
__scs_overlays_trampoline_lowered:
0x8: {  	[smem:$0x3FA8] =	sst s0  }
0x9: {  	[smem:$0x3FA9] =	sst s1  }
0xa: {  	[smem:$0x3FAA] =	sst s2  }
0xb: {  	[smem:$0x3FAB] =	sst s3  }
0xc: {  	[smem:$0x3FAC] =	sst s4  }
0xd: {  	[smem:$0x3FAD] =	sst s5  }
0xe: {  	[smem:$0x3FAE] =	sst s6  }
0xf: {  	[smem:$0x3FAF] =	sst s7  }
0x10: {  	[smem:$0x3FB0] =	sst s8  }
0x11: {  	[smem:$0x3FB1] =	sst s9;
	s0 =	simm.s32 @!p0 $0x0  }
0x12: {  	s1 =	sld [smem:$0x3F97];
	s0 =	simm.s32 @p0 $0x1  }
0x13: {  	[smem:$0x3FB2] =	sst s0;
	s0 =	simm.s32 @!p1 $0x0  }
0x14: {  	s2 =	sld [smem:$0x3F96];
	s0 =	simm.s32 @p1 $0x1  }
0x15: {  	[smem:$0x3FB3] =	sst s0;
	s0 =	simm.s32 @!p2 $0x0  }
0x16: {  	s3 =	sld [smem:$0x3FDB];
	s0 =	simm.s32 @p2 $0x1  }
0x17: {  	s4 =	simm.s32 $0x1BF5;
	[smem:$0x3FB5] =	sst s0  }
0x18: {  	s0 =	sld [smem:$0x3F98];
	_ =	swait.ge [sflag:s4], $0x0  }
0x19: {  	s7 =	sld [smem:$0x3F99]  }
0x1a: {  	s8 =	sadd.s32 $0xFFFFE003, lr  }
0x1b: {  	s9 =	sadd.s32 $0xFFFFFEF7, lr;
	s5 =	simm.s32 $0xFFFFFFFF;
	p2 =	slt.u32 s8, $0xFFFFF086  }
0x1c: {  	p1 =	slt.u32 s9, $0xF7A;
	s5 =	simm.s32 @!p2 $0x0  }
0x1d: {  	s5 =	simm.s32 @p1 $0x1;
	p0 =	seq.s32 s7, s2  }
0x1e: {  	s7 =	smul.u32 @!p0 $0xF7A, s2;
	p2 =	seq.s32 @!p0 s5, $0x0  }
0x1f: {  	s9 =	smul.u32 $0xF7A, s1;
	s8 =	simm.s32 @!p0 $0x1BF5;
	p2 =	por !p2, p0  }
0x20: {  	[sflag:s8] =	ssyncset.s32 @!p0 $0xFFFFF086;
	s6 =	sadd.s32 @!p0 s3, s7;
	s7 =	simm.s32 @!p0 $0x108  }
0x21: {  	s3 =	sadd.s32 s3, s9;
	s6 =	sadd.s32 @!p0 $0x88, s6;
	s7 =	simm.s32 @p2 $0x1082  }
0x22: {  	[simem:s7], [sflag:s8] =	dma.local @!p0 [hbm:s6], $0xF7A  }
0x23: {  	s9 =	sor.u32 $0xD0000000, s2;
	s6 =	simm.s32 $0x108;
	_ =	swait.ge @!p0 [sflag:s8], $0x0  }
0x24: {  	s3 =	sadd.s32 $0x88, s3;
	s6 =	simm.s32 @!p1 $0x1082;
	[sflag:s4] =	ssyncset.s32 $0xFFFFF086  }
0x25: {  	[simem:s6], [sflag:s4] =	dma.local [hbm:s3], $0xF7A  }
0x26: {  	[smem:$0x3F99] =	sst s1;
	(tag) =	ssettag s2;
	_ =	strace s9  }
0x27: {  	s1 =	sld [smem:$0x3FA9]  }
0x28: {  	s2 =	sld [smem:$0x3FAA]  }
0x29: {  	s4 =	sld [smem:$0x3FAC]  }
0x2a: {  	p0 =	seq.s32 s5, $0x0;
	s5 =	sld [smem:$0x3FAD]  }
0x2b: {  	s6 =	sld [smem:$0x3FAE]  }
0x2c: {  	s7 =	sld [smem:$0x3FAF]  }
0x2d: {  	s3 =	simm.s32 $0x108;
	s8 =	sld [smem:$0x3FB0]  }
0x2e: {  	s3 =	simm.s32 @!p0 $0x1082;
	s9 =	sld [smem:$0x3FB1]  }
0x2f: {  	lr =	sadd.s32 s0, s3;
	s0 =	sld [smem:$0x3FA8]  }
0x30: {  	s3 =	sld [smem:$0x3FAB]  }
0x31: {  	[smem:$0x3FB4] =	sst s10  }
0x32: {  	s10 =	sld [smem:$0x3FB2];
	_ =	sdelay $0x3  }
0x33: {  	p0 =	seq.s32 s10, $0x1;
	s10 =	sld [smem:$0x3FB4];
	_ =	sdelay $0x3  }
0x34: {  	[smem:$0x3FB4] =	sst s10  }
0x35: {  	s10 =	sld [smem:$0x3FB3];
	_ =	sdelay $0x3  }
0x36: {  	p1 =	seq.s32 s10, $0x1;
	s10 =	sld [smem:$0x3FB4];
	_ =	sdelay $0x3  }
0x37: {  	[smem:$0x3FB4] =	sst s10  }
0x38: {  	s10 =	sld [smem:$0x3FB5]  }
0x39: {  	_ = 	snop;
	(pc) =	sbr.ind lr, $3  }
0x3a: {  	_ = 	snop  }
0x3b: {  	_ = 	snop  }
0x3c: {  	p2 =	seq.s32 s10, $0x1;
	s10 =	sld [smem:$0x3FB4]  }
0x3d: {  	_ =	shalt  }
0x3e: {  	_ =	shalt  }
0x3f: {  	_ =	shalt  }
0x40: {  	_ =	shalt  }
0x41: {  	_ =	shalt  }
0x42: {  	_ =	shalt  }
0x43: {  	_ =	shalt  }
0x44: {  	_ =	shalt  }
0x45: {  	_ =	shalt  }
0x46: {  	_ =	shalt  }
0x47: {  	_ =	shalt  }
0x48: {  	_ =	shalt  }
0x49: {  	_ =	shalt  }
0x4a: {  	_ =	shalt  }
0x4b: {  	_ =	shalt  }
0x4c: {  	_ =	shalt  }
0x4d: {  	_ =	shalt  }
0x4e: {  	_ =	shalt  }
0x4f: {  	_ =	shalt  }
0x50: {  	_ =	shalt  }
0x51: {  	_ =	shalt  }
0x52: {  	_ =	shalt  }
0x53: {  	_ =	shalt  }
0x54: {  	_ =	shalt  }
0x55: {  	_ =	shalt  }
0x56: {  	_ =	shalt  }
0x57: {  	_ =	shalt  }
0x58: {  	_ =	shalt  }
0x59: {  	_ =	shalt  }
0x5a: {  	_ =	shalt  }
0x5b: {  	_ =	shalt  }
0x5c: {  	_ =	shalt  }
0x5d: {  	_ =	shalt  }
0x5e: {  	_ =	shalt  }
0x5f: {  	_ =	shalt  }
0x60: {  	_ =	shalt  }
0x61: {  	_ =	shalt  }
0x62: {  	_ =	shalt  }
0x63: {  	_ =	shalt  }
0x64: {  	_ =	shalt  }
0x65: {  	_ =	shalt  }
0x66: {  	_ =	shalt  }
0x67: {  	_ =	shalt  }
0x68: {  	_ =	shalt  }
0x69: {  	_ =	shalt  }
0x6a: {  	_ =	shalt  }
0x6b: {  	_ =	shalt  }
0x6c: {  	_ =	shalt  }
0x6d: {  	_ =	shalt  }
0x6e: {  	_ =	shalt  }
0x6f: {  	_ =	shalt  }
0x70: {  	_ =	shalt  }
0x71: {  	_ =	shalt  }
0x72: {  	_ =	shalt  }
0x73: {  	_ =	shalt  }
0x74: {  	_ =	shalt  }
0x75: {  	_ =	shalt  }
0x76: {  	_ =	shalt  }
0x77: {  	_ =	shalt  }
0x78: {  	_ =	shalt  }
0x79: {  	_ =	shalt  }
0x7a: {  	_ =	shalt  }
0x7b: {  	_ =	shalt  }
0x7c: {  	_ =	shalt  }
0x7d: {  	_ =	shalt  }
0x7e: {  	_ =	shalt  }
0x7f: {  	_ =	shalt  }
0x80: {  	_ =	shalt  }
0x81: {  	_ =	shalt  }
0x82: {  	_ =	shalt  }
0x83: {  	_ =	shalt  }
0x84: {  	_ =	shalt  }
0x85: {  	_ =	shalt  }
0x86: {  	_ =	shalt  }
0x87: {  	_ =	shalt  }
.Lfunc_end0:
.L_simem_size_0:
called_computation.1_lowered:
.L_overlay_start_0:
0x88: {  	s2 =	sld [smem:$0x3FD9]  }
0x89: {  	s3 =	sld [smem:$0x3FFE];
	_ =	sdelay $0x1  }
0x8a: {  	s1 =	srdreg.scid  }
0x8b: {  	s0 =	sand.u32 $0x1, s1  }
0x8c: {  	s17 =	sshll.u32 s0, $0xA;
	s2 =	sadd.s32 s3, s2  }
0x8d: {  	s2 =	sadd.s32 s2, s17  }
0x8e: {  	[smem:$0x3FC0] =	sst s2  }
0x8f: {  	_ = 	snop  }
0x90: {  	s2 =	sld [smem:$0x3FD0];
	(tm) =	ssettm $0x1  }
0x91: {  	s18 =	sld [smem:$0x3FFB];
	_ =	sdelay $0x3  }
0x92: {  	_ =	strace s18  }
0x93: {  	s3 =	sld [smem:$0x3FFC];
	_ =	sdelay $0x3  }
0x94: {  	_ =	strace s3  }
0x95: {  	s3 =	sld [smem:$0x3FFD];
	_ =	sdelay $0x3  }
0x96: {  	_ =	strace s3  }
0x97: {  	_ =	strace $0x8FFFFFFF  }
0x98: {  	s19 =	sld [smem:$0x3FDB];
	_ =	sdelay $0x1  }
0x99: {  	s4 =	simm.s32 $_scs_section_size  }
0x9a: {  	s5 =	simm.s32 $_size__tile_overlayer_lowered;
	s6 =	simm.s32 $_tile_overlayer_lowered  }
0x9b: {  	s22 =	simm.s32 $0x1BFF;
	s21 =	sshll.u32 s6, $0x1;
	s3 =	sadd.s32 s4, s19  }
0x9c: {  	s7 =	simm.s32 $0x0;
	s20 =	sshll.u32 s5, $0x1;
	s5 =	sadd.s32 s21, s3  }
0x9d: {  	[timem:s7], [sflag:s22] =	dma.local [hbm:s5], s20  }
0x9e: {  	_ =	swait.ge [sflag:s22], s20  }
0x9f: {  	s4 =	ssub.s32 $0x0, s20;
	[sflag:s22] =	ssyncset.done $0x0  }
0xa0: {  	[sflag:s22] =	ssyncadd.s32 s4;
	_ =	sdelay $0x1  }
0xa1: {  	s23 =	simm.s32 $0x1B8B  }
0xa2: {  	_ =	swait.ge [sflag:s23], $0x1  }
0xa3: {  	[sflag:s23] =	ssyncset.done $0x0  }
0xa4: {  	s25 =	simm.s32 $0x1B8E;
	s24 =	sld [smem:$0x3FFE];
	[sflag:s23] =	ssyncadd.s32 $0xFFFFFFFF  }
0xa5: {  	s26 =	simm.s32 $execute0_lowered;
	[smem:$0x3FD2] =	sst s25  }
0xa6: {  	s5 =	sshll.u32 s26, $0x1;
	_ =	strace $0x80000049;
	[dreg:$0x1] =	wrdreg $0xFFFFFFFF  }
0xa7: {  	s28 =	simm.s32 $_size_execute0_lowered;
	s3 =	sadd.s32 s3, s5;
	[dreg:$0x0] =	wrdreg $0x0  }
0xa8: {  	s5 =	sshll.u32 s28, $0x1;
	[dreg:$0x2] =	wrdreg s3  }
0xa9: {  	[dreg:$0x3] =	wrdreg s5  }
0xaa: {  	[dreg:$0x4] =	wrdreg $0xC0  }
0xab: {  	_ =	task [dreg:s7], $0x5FFFF  }
0xac: {  	[dreg:$0x1] =	wrdreg $0xFFFFFFFF  }
0xad: {  	[dreg:$0x0] =	wrdreg $0x60  }
0xae: {  	[dreg:$0x2] =	wrdreg s2  }
0xaf: {  	[dreg:$0x3] =	wrdreg s24  }
0xb0: {  	[dreg:$0x4] =	wrdreg $0x0  }
0xb1: {  	[dreg:$0x5] =	wrdreg $0x9  }
0xb2: {  	_ =	task.clear_ibuf [dreg:s7], $0x6FFFF;
	_ =	strace $0x90000049  }
0xb3: {  	s29 =	simm.s32 $0x9;
	_ =	strace $0x8000004B  }
0xb4: {  	_ =	swait.ge [sflag:s29], $0x1  }
0xb5: {  	[sflag:s29] =	ssyncadd.s32 $0xFFFFFFFF  }
0xb6: {  	_ =	strace $0x9000004B  }
0xb7: {  	_ =	sfence  }
0xb8: {  	s30 =	sld [smem:$0x0];
	_ =	sdelay $0x2  }
0xb9: {  	s31 =	sshll.u32 s1, $0xD;
	s1 =	sshrl.u32 s1, $0x2  }
0xba: {  	s3 =	sand.u32 $0x4000, s31;
	s1 =	sadd.s32 s1, s30  }
0xbb: {  	s0 =	sor.u32 s3, s0;
	s1 =	sshll.u32 s1, $0x11  }
0xbc: {  	s0 =	sor.u32 s1, s0  }
0xbd: {  	s0 =	sadd.s32 $0x8F2B, s0  }
0xbe: {  	[sflag:s0] =	ssyncadd.remote.s32 $0x1  }
0xbf: {  	_ =	sfence.sel $0xFFFF  }
0xc0: {  	[dreg:$0x0] =	wrdreg $0xFFFFFFFF;
	(pc) =	sbr.abs _section_cstart, $3  }
0xc1: {  	[dreg:$0x1] =	wrdreg $0xFFFFFFFF  }
0xc2: {  	_ =	task.clear_ibuf [dreg:s7], $0x2FFFF;
	_ =	strace $0x9FFFFFFF  }
0xc3: {  	(tm) =	ssettm $0x7FFFFFFF  }
tec
execute0_lowered:
.L_overlay_start_1:
0x0: {  	(tag) =	ssettag $0x1  }
0x1: {  	s2 =	rddreg [dreg:$0x0]  }
0x2: {  	s5 =	rddreg [dreg:$0x1]  }
0x3: {  	s3 =	rddreg [dreg:$0x2]  }
0x4: {  	s0 =	rddreg [dreg:$0x3]  }
0x5: {  	s1 =	stileid.u32;
	s6 =	srdreg.scid;
	s4 =	simm.s32 $0x0  }
0x6: {  	s17 =	simm.s32 $0x1;
	s7 =	smul.u32 $0xA000, s1;
	s13 =	sand.u32 $0x1, s6  }
0x7: {  	[smem:$0x7FF] =	sst s4;
	s9 =	sadd.s32 $0x33000, s5;
	s14 =	smul.u32 $0x2280, s1  }
0x8: {  	s10 =	sadd.s32 $0x29200, s5;
	s28 =	sshll.u32 s1, $0x6;
	s30 =	smul.u32 $0x580, s1  }
0x9: {  	s6 =	smul.u32 $0xA0000, s13;
	_ =	strace $0x8000004A;
	s11 =	ssub.s32 $0x2, s13  }
0xa: {  	p0 =	sne.s32 s13, $0x0;
	s8 =	sshrl.u32 s7, $0x4;
	s12 =	sshrl.u32 s11, $0x1  }
0xb: {  	s29 =	sshrl.u32 s14, $0x3;
	s14 =	simm.s32 $0x2;
	s6 =	sadd.s32 s7, s6  }
0xc: {  	s8 =	sadd.s32 s8, s5;
	s7 =	sshrl.u32 s7, $0x1;
	s12 =	ssub.s32 s11, s12  }
0xd: {  	s31 =	sadd.s32 $0x5800, s29;
	s6 =	sshrl.u32 s6, $0x4;
	s16 =	sadd.s32 s7, s3  }
0xe: {  	s7 =	sadd.s32 s9, s31;
	s9 =	sadd.s32 s9, s30;
	s12 =	smax.u32 s12, $0x1  }
0xf: {  	s15 =	sadd.s32 s6, s5;
	s5 =	sadd.s32 $0x64E00, s8;
	s6 =	sor.u32 $0x1C02, s28  }
0x10: {  	s8 =	sadd.s32 s10, s31;
	s10 =	sadd.s32 s10, s30;
	s13 =	sshrl.u32 s16, $0x3  }
0x11: {  	s16 =	simm.s32 $0xA800;
	s11 =	sadd.s32 $0x1200, s15;
	s15 =	simm.s32 $0x80  }
.LBB2_1:
0x12: {  	[spmem:s13], [sflag:s6] =	dma.local [hbm:s5], $0xA00  }
0x13: {  	_ =	swait.ge [sflag:s14], $0xA00  }
0x14: {  	[sflag:s14] =	ssyncset.done $0x0  }
0x15: {  	s18 =	simm.s32 @p0 $0x0;
	s19 =	simm.s32 @p0 $0x5000;
	[sflag:s14] =	ssyncadd.s32 $0xFFFFF600  }
0x16: {  	[tilespmem:s19], [sflag:$0x2] =	stream.linear.gather @p0 [hbm4b:s7+s18], $0x2280, $0x38;
	[tilespmem:$0xB800] =	vst v63  }
0x17: {  	s19 =	simm.s32 @p0 $0x2  }
0x18: {  	_ =	swait.ge @p0 [sflag:s19], $0x2280  }
0x19: {  	[sflag:s19] =	ssyncset.done @p0 $0x0  }
0x1a: {  	s20 =	simm.s32 @p0 $0x7C00;
	[sflag:s19] =	ssyncadd.s32 @p0 $0xFFFFDD80  }
0x1b: {  	[tilespmem:s20], [sflag:$0x2] =	stream.linear.gather @p0 [hbm4b:s8+s18], $0x2280, $0x38;
	[tilespmem:$0xB800] =	vst v63  }
0x1c: {  	_ =	swait.ge @p0 [sflag:s19], $0x2280  }
0x1d: {  	[sflag:s19] =	ssyncset.done @p0 $0x0  }
0x1e: {  	s18 =	simm.s32 @!p0 $0x0;
	[sflag:s19] =	ssyncadd.s32 @p0 $0xFFFFDD80;
	s19 =	simm.s32 @!p0 $0x5000  }
0x1f: {  	[tilespmem:s19], [sflag:$0x2] =	stream.linear.gather @!p0 [hbm4b:s9+s18], $0x2C00, $0x38;
	[tilespmem:$0xB800] =	vst v63  }
0x20: {  	s19 =	simm.s32 @!p0 $0x2  }
0x21: {  	_ =	swait.ge @!p0 [sflag:s19], $0x2C00  }
0x22: {  	[sflag:s19] =	ssyncset.done @!p0 $0x0  }
0x23: {  	s20 =	simm.s32 @!p0 $0x7C00;
	[sflag:s19] =	ssyncadd.s32 @!p0 $0xFFFFD400  }
0x24: {  	[tilespmem:s20], [sflag:$0x2] =	stream.linear.gather @!p0 [hbm4b:s10+s18], $0x2C00, $0x38;
	[tilespmem:$0xB800] =	vst v63  }
0x25: {  	_ =	swait.ge @!p0 [sflag:s19], $0x2C00  }
0x26: {  	[sflag:s19] =	ssyncset.done @!p0 $0x0  }
0x27: {  	s20 =	simm.s32 @!p0 $0x58;
	[sflag:s19] =	ssyncadd.s32 @!p0 $0xFFFFD400  }
0x28: {  	s18 =	simm.s32 $0x5000;
	s20 =	simm.s32 @p0 $0x45;
	[bflag:$0x0] =	sbarrier.arrive $0xFFFF  }
0x29: {  	[tilespmem:s16], [sflag:$0x1] =	stream.indirect.gather [hbm4b:s2+s15], $0x20, s18, s15, $0xb8;
	[tilespmem:$0xB800] =	vst v63  }
0x2a: {  	p1 =	sne.s32 s20, $0x1;
	_ =	swait.ge [sflag:s17], $0x1000  }
.Ltmp0:
0x2b: {  	[sflag:s17] =	ssyncset.done $0x0;
	(pc) =	sbr.rel @!p1 .LBB2_3-.Ltmp0, $4  }
0x2c: {  	s19 =	simm.s32 $0x7C00;
	[sflag:s17] =	ssyncadd.s32 $0xFFFFF000  }
0x2d: {  	[spmem:s3] =	stream.indirect.scatter.add.bf16 [tilespmem:s16], [sflag:$0x2], $0x20, s19, s15, $0xb8;
	[tilespmem:$0xB800] =	vst v63  }
0x2e: {  	_ =	swait.ge [sflag:s14], $0x1000  }
0x2f: {  	s20 =	sadd.s32 $0xFFFFFFFF, s20;
	[sflag:s14] =	ssyncset.done $0x0  }
.LBB2_2:
0x30: {  	[sflag:s14] =	ssyncadd.s32 $0xFFFFF000;
	s18 =	sadd.s32 $0x80, s18;
	s19 =	sadd.s32 $0x80, s19  }
0x31: {  	[tilespmem:s16], [sflag:$0x1] =	stream.indirect.gather [hbm4b:s2+s15], $0x20, s18, s15, $0xb8;
	[tilespmem:$0xB800] =	vst v63  }
0x32: {  	p1 =	sne.s32 s20, $0x1;
	s20 =	sadd.s32 $0xFFFFFFFF, s20;
	_ =	swait.ge [sflag:s17], $0x1000  }
.Ltmp1:
0x33: {  	[sflag:s17] =	ssyncset.done $0x0;
	(pc) =	sbr.rel @p1 .LBB2_2-.Ltmp1, $4  }
0x34: {  	[sflag:s17] =	ssyncadd.s32 $0xFFFFF000  }
0x35: {  	[spmem:s3] =	stream.indirect.scatter.add.bf16 [tilespmem:s16], [sflag:$0x2], $0x20, s19, s15, $0xb8;
	[tilespmem:$0xB800] =	vst v63  }
0x36: {  	_ =	swait.ge [sflag:s14], $0x1000  }
0x37: {  	[sflag:s14] =	ssyncset.done $0x0  }
.LBB2_3:
0x38: {  	s4 =	sadd.s32 $0x1, s4  }
0x39: {  	[sflag:s14] =	ssyncadd.s32 $0xFFFFF000;
	p1 =	sne.s32 s4, s12  }
.Ltmp2:
0x3a: {  	[bflag:$0x0] =	sbarrier.arrive $0xFFFF;
	(pc) =	sbr.rel @p1 .LBB2_1-.Ltmp2, $4  }
0x3b: {  	[hbm:s11], [sflag:s6] =	dma.local [spmem:s13], $0xA00  }
0x3c: {  	_ =	swait.ge [sflag:s14], $0xA00  }
0x3d: {  	[sflag:s14] =	ssyncset.done $0x0  }
0x3e: {  	[sflag:s14] =	ssyncadd.s32 $0xFFFFF600  }
0x3f: {  	_ =	sfence.sel $0x180000  }
0x40: {  	[bflag:$0x0] =	sbarrier.arrive $0xFFFF  }
0x41: {  	p0 =	sne.s32 s1, $0x0;
	_ =	strace $0x9000004A  }
0x42: {  	s0 =	sadd.s32 @!p0 $0x100000, s0;
	[bflag:$0x2] =	sbarrier.arrive $0xFFFF  }
0x43: {  	[sflag:s0] =	ssyncadd.tile.s32 @!p0 $0x1;
	_ =	shalt  }
.Lfunc_end2:
_tile_overlayer_lowered:
.L_overlay_start_2:
0x44: {  	(tag) =	ssettag $0x2  }
0x45: {  	s0 =	rddreg [dreg:$0x0];
	s2 =	stileid.u32  }
0x46: {  	s1 =	rddreg [dreg:$0x1];
	p0 =	sne.s32 s2, $0x0  }
0x47: {  	s3 =	rddreg [dreg:$0x2];
	[bflag:$0x3] =	sbarrier.arrive $0xFFFF;
	s2 =	simm.s32 @!p0 $0x1C02  }
0x48: {  	[timem:s3], [sflag:s2] =	dma.local @!p0 [hbm:s0], s1  }
0x49: {  	s0 =	simm.s32 @!p0 $0x2  }
0x4a: {  	_ =	swait.ge @!p0 [sflag:s0], s1  }
0x4b: {  	s1 =	ssub.s32 @!p0 $0x0, s1;
	[sflag:s0] =	ssyncset.done @!p0 $0x0  }
0x4c: {  	[sflag:s0] =	ssyncadd.s32 @!p0 s1  }
0x4d: {  	[bflag:$0x3] =	sbarrier.arrive $0xFFFF  }
0x4e: {  	_ =	shalt  }

// kernel: kernel.7.cloned.1.call-start
scs
__scs_entry_jumppad:
0x0: {  	(pc) =	sbr.rel $0x88, $3  }
0x1: {  	(tag) =	ssettag $0x0;
	lr =	simm.s32 $0x1  }
0x2: {  	[smem:$0x3F99] =	sst lr;
	_ =	strace $0xD0000000  }
0x3: {  	_ = 	snop  }
0x4: {  	_ = 	snop  }
0x5: {  	_ = 	snop  }
0x6: {  	_ = 	snop  }
0x7: {  	_ = 	snop  }
__scs_overlays_trampoline_lowered:
0x8: {  	[smem:$0x3FA8] =	sst s0  }
0x9: {  	[smem:$0x3FA9] =	sst s1  }
0xa: {  	[smem:$0x3FAA] =	sst s2  }
0xb: {  	[smem:$0x3FAB] =	sst s3  }
0xc: {  	[smem:$0x3FAC] =	sst s4  }
0xd: {  	[smem:$0x3FAD] =	sst s5  }
0xe: {  	[smem:$0x3FAE] =	sst s6  }
0xf: {  	[smem:$0x3FAF] =	sst s7  }
0x10: {  	[smem:$0x3FB0] =	sst s8  }
0x11: {  	[smem:$0x3FB1] =	sst s9;
	s0 =	simm.s32 @!p0 $0x0  }
0x12: {  	s1 =	sld [smem:$0x3F97];
	s0 =	simm.s32 @p0 $0x1  }
0x13: {  	[smem:$0x3FB2] =	sst s0;
	s0 =	simm.s32 @!p1 $0x0  }
0x14: {  	s2 =	sld [smem:$0x3F96];
	s0 =	simm.s32 @p1 $0x1  }
0x15: {  	[smem:$0x3FB3] =	sst s0;
	s0 =	simm.s32 @!p2 $0x0  }
0x16: {  	s3 =	sld [smem:$0x3FDB];
	s0 =	simm.s32 @p2 $0x1  }
0x17: {  	s4 =	simm.s32 $0x1BF5;
	[smem:$0x3FB5] =	sst s0  }
0x18: {  	s0 =	sld [smem:$0x3F98];
	_ =	swait.ge [sflag:s4], $0x0  }
0x19: {  	s7 =	sld [smem:$0x3F99]  }
0x1a: {  	s8 =	sadd.s32 $0xFFFFE003, lr  }
0x1b: {  	s9 =	sadd.s32 $0xFFFFFEF7, lr;
	s5 =	simm.s32 $0xFFFFFFFF;
	p2 =	slt.u32 s8, $0xFFFFF086  }
0x1c: {  	p1 =	slt.u32 s9, $0xF7A;
	s5 =	simm.s32 @!p2 $0x0  }
0x1d: {  	s5 =	simm.s32 @p1 $0x1;
	p0 =	seq.s32 s7, s2  }
0x1e: {  	s7 =	smul.u32 @!p0 $0xF7A, s2;
	p2 =	seq.s32 @!p0 s5, $0x0  }
0x1f: {  	s9 =	smul.u32 $0xF7A, s1;
	s8 =	simm.s32 @!p0 $0x1BF5;
	p2 =	por !p2, p0  }
0x20: {  	[sflag:s8] =	ssyncset.s32 @!p0 $0xFFFFF086;
	s6 =	sadd.s32 @!p0 s3, s7;
	s7 =	simm.s32 @!p0 $0x108  }
0x21: {  	s3 =	sadd.s32 s3, s9;
	s6 =	sadd.s32 @!p0 $0x88, s6;
	s7 =	simm.s32 @p2 $0x1082  }
0x22: {  	[simem:s7], [sflag:s8] =	dma.local @!p0 [hbm:s6], $0xF7A  }
0x23: {  	s9 =	sor.u32 $0xD0000000, s2;
	s6 =	simm.s32 $0x108;
	_ =	swait.ge @!p0 [sflag:s8], $0x0  }
0x24: {  	s3 =	sadd.s32 $0x88, s3;
	s6 =	simm.s32 @!p1 $0x1082;
	[sflag:s4] =	ssyncset.s32 $0xFFFFF086  }
0x25: {  	[simem:s6], [sflag:s4] =	dma.local [hbm:s3], $0xF7A  }
0x26: {  	[smem:$0x3F99] =	sst s1;
	(tag) =	ssettag s2;
	_ =	strace s9  }
0x27: {  	s1 =	sld [smem:$0x3FA9]  }
0x28: {  	s2 =	sld [smem:$0x3FAA]  }
0x29: {  	s4 =	sld [smem:$0x3FAC]  }
0x2a: {  	p0 =	seq.s32 s5, $0x0;
	s5 =	sld [smem:$0x3FAD]  }
0x2b: {  	s6 =	sld [smem:$0x3FAE]  }
0x2c: {  	s7 =	sld [smem:$0x3FAF]  }
0x2d: {  	s3 =	simm.s32 $0x108;
	s8 =	sld [smem:$0x3FB0]  }
0x2e: {  	s3 =	simm.s32 @!p0 $0x1082;
	s9 =	sld [smem:$0x3FB1]  }
0x2f: {  	lr =	sadd.s32 s0, s3;
	s0 =	sld [smem:$0x3FA8]  }
0x30: {  	s3 =	sld [smem:$0x3FAB]  }
0x31: {  	[smem:$0x3FB4] =	sst s10  }
0x32: {  	s10 =	sld [smem:$0x3FB2];
	_ =	sdelay $0x3  }
0x33: {  	p0 =	seq.s32 s10, $0x1;
	s10 =	sld [smem:$0x3FB4];
	_ =	sdelay $0x3  }
0x34: {  	[smem:$0x3FB4] =	sst s10  }
0x35: {  	s10 =	sld [smem:$0x3FB3];
	_ =	sdelay $0x3  }
0x36: {  	p1 =	seq.s32 s10, $0x1;
	s10 =	sld [smem:$0x3FB4];
	_ =	sdelay $0x3  }
0x37: {  	[smem:$0x3FB4] =	sst s10  }
0x38: {  	s10 =	sld [smem:$0x3FB5]  }
0x39: {  	_ = 	snop;
	(pc) =	sbr.ind lr, $3  }
0x3a: {  	_ = 	snop  }
0x3b: {  	_ = 	snop  }
0x3c: {  	p2 =	seq.s32 s10, $0x1;
	s10 =	sld [smem:$0x3FB4]  }
0x3d: {  	_ =	shalt  }
0x3e: {  	_ =	shalt  }
0x3f: {  	_ =	shalt  }
0x40: {  	_ =	shalt  }
0x41: {  	_ =	shalt  }
0x42: {  	_ =	shalt  }
0x43: {  	_ =	shalt  }
0x44: {  	_ =	shalt  }
0x45: {  	_ =	shalt  }
0x46: {  	_ =	shalt  }
0x47: {  	_ =	shalt  }
0x48: {  	_ =	shalt  }
0x49: {  	_ =	shalt  }
0x4a: {  	_ =	shalt  }
0x4b: {  	_ =	shalt  }
0x4c: {  	_ =	shalt  }
0x4d: {  	_ =	shalt  }
0x4e: {  	_ =	shalt  }
0x4f: {  	_ =	shalt  }
0x50: {  	_ =	shalt  }
0x51: {  	_ =	shalt  }
0x52: {  	_ =	shalt  }
0x53: {  	_ =	shalt  }
0x54: {  	_ =	shalt  }
0x55: {  	_ =	shalt  }
0x56: {  	_ =	shalt  }
0x57: {  	_ =	shalt  }
0x58: {  	_ =	shalt  }
0x59: {  	_ =	shalt  }
0x5a: {  	_ =	shalt  }
0x5b: {  	_ =	shalt  }
0x5c: {  	_ =	shalt  }
0x5d: {  	_ =	shalt  }
0x5e: {  	_ =	shalt  }
0x5f: {  	_ =	shalt  }
0x60: {  	_ =	shalt  }
0x61: {  	_ =	shalt  }
0x62: {  	_ =	shalt  }
0x63: {  	_ =	shalt  }
0x64: {  	_ =	shalt  }
0x65: {  	_ =	shalt  }
0x66: {  	_ =	shalt  }
0x67: {  	_ =	shalt  }
0x68: {  	_ =	shalt  }
0x69: {  	_ =	shalt  }
0x6a: {  	_ =	shalt  }
0x6b: {  	_ =	shalt  }
0x6c: {  	_ =	shalt  }
0x6d: {  	_ =	shalt  }
0x6e: {  	_ =	shalt  }
0x6f: {  	_ =	shalt  }
0x70: {  	_ =	shalt  }
0x71: {  	_ =	shalt  }
0x72: {  	_ =	shalt  }
0x73: {  	_ =	shalt  }
0x74: {  	_ =	shalt  }
0x75: {  	_ =	shalt  }
0x76: {  	_ =	shalt  }
0x77: {  	_ =	shalt  }
0x78: {  	_ =	shalt  }
0x79: {  	_ =	shalt  }
0x7a: {  	_ =	shalt  }
0x7b: {  	_ =	shalt  }
0x7c: {  	_ =	shalt  }
0x7d: {  	_ =	shalt  }
0x7e: {  	_ =	shalt  }
0x7f: {  	_ =	shalt  }
0x80: {  	_ =	shalt  }
0x81: {  	_ =	shalt  }
0x82: {  	_ =	shalt  }
0x83: {  	_ =	shalt  }
0x84: {  	_ =	shalt  }
0x85: {  	_ =	shalt  }
0x86: {  	_ =	shalt  }
0x87: {  	_ =	shalt  }
.Lfunc_end0:
.L_simem_size_0:
called_computation_lowered:
.L_overlay_start_0:
0x88: {  	s2 =	sld [smem:$0x3FD9]  }
0x89: {  	s3 =	sld [smem:$0x3FFE];
	_ =	sdelay $0x1  }
0x8a: {  	s1 =	srdreg.scid  }
0x8b: {  	s0 =	sand.u32 $0x1, s1  }
0x8c: {  	s16 =	sshll.u32 s0, $0xA;
	s2 =	sadd.s32 s3, s2  }
0x8d: {  	s2 =	sadd.s32 s2, s16  }
0x8e: {  	[smem:$0x3FC0] =	sst s2  }
0x8f: {  	_ = 	snop  }
0x90: {  	(tm) =	ssettm $0x1  }
0x91: {  	s17 =	sld [smem:$0x3FFB];
	_ =	sdelay $0x3  }
0x92: {  	_ =	strace s17  }
0x93: {  	s2 =	sld [smem:$0x3FFC];
	_ =	sdelay $0x3  }
0x94: {  	_ =	strace s2  }
0x95: {  	s2 =	sld [smem:$0x3FFD];
	_ =	sdelay $0x3  }
0x96: {  	_ =	strace s2  }
0x97: {  	_ =	strace $0x8FFFFFFF  }
0x98: {  	s18 =	sld [smem:$0x3FDB];
	_ =	sdelay $0x1  }
0x99: {  	s19 =	simm.s32 $_scs_section_size  }
0x9a: {  	s4 =	simm.s32 $_size__tile_overlayer_lowered;
	s5 =	simm.s32 $_tile_overlayer_lowered  }
0x9b: {  	s22 =	simm.s32 $0x1BFF;
	s21 =	sshll.u32 s5, $0x1;
	s2 =	sadd.s32 s19, s18  }
0x9c: {  	s6 =	simm.s32 $0x0;
	s20 =	sshll.u32 s4, $0x1;
	s4 =	sadd.s32 s21, s2  }
0x9d: {  	[timem:s6], [sflag:s22] =	dma.local [hbm:s4], s20  }
0x9e: {  	_ =	swait.ge [sflag:s22], s20  }
0x9f: {  	s3 =	ssub.s32 $0x0, s20;
	[sflag:s22] =	ssyncset.done $0x0  }
0xa0: {  	[sflag:s22] =	ssyncadd.s32 s3;
	_ =	sdelay $0x1  }
0xa1: {  	s23 =	simm.s32 $0x1B8B  }
0xa2: {  	_ =	swait.ge [sflag:s23], $0x1  }
0xa3: {  	[sflag:s23] =	ssyncset.done $0x0  }
0xa4: {  	s25 =	simm.s32 $0x1B8E;
	s24 =	sld [smem:$0x3FFE];
	[sflag:s23] =	ssyncadd.s32 $0xFFFFFFFF  }
0xa5: {  	s26 =	simm.s32 $execute0_lowered;
	[smem:$0x3FD2] =	sst s25  }
0xa6: {  	s4 =	sshll.u32 s26, $0x1;
	_ =	strace $0x80000046;
	[dreg:$0x1] =	wrdreg $0xFFFFFFFF  }
0xa7: {  	s28 =	simm.s32 $_size_execute0_lowered;
	s2 =	sadd.s32 s2, s4;
	[dreg:$0x0] =	wrdreg $0x0  }
0xa8: {  	s4 =	sshll.u32 s28, $0x1;
	[dreg:$0x2] =	wrdreg s2  }
0xa9: {  	[dreg:$0x3] =	wrdreg s4  }
0xaa: {  	[dreg:$0x4] =	wrdreg $0xC0  }
0xab: {  	_ =	task [dreg:s6], $0x5FFFF  }
0xac: {  	[dreg:$0x1] =	wrdreg $0xFFFFFFFF  }
0xad: {  	[dreg:$0x0] =	wrdreg $0x60  }
0xae: {  	[dreg:$0x2] =	wrdreg s24  }
0xaf: {  	[dreg:$0x3] =	wrdreg $0x0  }
0xb0: {  	[dreg:$0x4] =	wrdreg $0x9  }
0xb1: {  	_ =	task.clear_ibuf [dreg:s6], $0x5FFFF;
	_ =	strace $0x90000046  }
0xb2: {  	s29 =	simm.s32 $0x9;
	_ =	strace $0x80000048  }
0xb3: {  	_ =	swait.ge [sflag:s29], $0x1  }
0xb4: {  	[sflag:s29] =	ssyncadd.s32 $0xFFFFFFFF  }
0xb5: {  	_ =	strace $0x90000048  }
0xb6: {  	_ =	sfence  }
0xb7: {  	s30 =	sld [smem:$0x0];
	_ =	sdelay $0x2  }
0xb8: {  	s31 =	sshll.u32 s1, $0xD;
	s1 =	sshrl.u32 s1, $0x2  }
0xb9: {  	s3 =	sand.u32 $0x4000, s31;
	s1 =	sadd.s32 s1, s30  }
0xba: {  	s0 =	sor.u32 s3, s0;
	s1 =	sshll.u32 s1, $0x11  }
0xbb: {  	s0 =	sor.u32 s1, s0  }
0xbc: {  	s0 =	sadd.s32 $0x8F2B, s0  }
0xbd: {  	[sflag:s0] =	ssyncadd.remote.s32 $0x1  }
0xbe: {  	_ =	sfence.sel $0xFFFF  }
0xbf: {  	[dreg:$0x0] =	wrdreg $0xFFFFFFFF;
	(pc) =	sbr.abs _section_cstart, $3  }
0xc0: {  	[dreg:$0x1] =	wrdreg $0xFFFFFFFF  }
0xc1: {  	_ =	task.clear_ibuf [dreg:s6], $0x2FFFF;
	_ =	strace $0x9FFFFFFF  }
0xc2: {  	(tm) =	ssettm $0x7FFFFFFF  }
0xc3: {  	_ =	shalt  }
tec
execute0_lowered:
.L_overlay_start_1:
0x0: {  	(tag) =	ssettag $0x1  }
0x1: {  	s5 =	rddreg [dreg:$0x0]  }
0x2: {  	s2 =	rddreg [dreg:$0x1]  }
0x3: {  	s0 =	rddreg [dreg:$0x2];
	s1 =	stileid.u32  }
0x4: {  	s4 =	srdreg.scid;
	s3 =	simm.s32 $0x0;
	s17 =	simm.s32 $0x1  }
0x5: {  	s6 =	smul.u32 $0x14000, s1;
	s13 =	sand.u32 $0x1, s4;
	[smem:$0x7FF] =	sst s3  }
0x6: {  	s4 =	sadd.s32 $0x1200, s5;
	s9 =	sadd.s32 $0x33000, s5;
	s14 =	smul.u32 $0x2280, s1  }
0x7: {  	s10 =	sadd.s32 $0x29200, s5;
	s28 =	sshll.u32 s1, $0x6;
	s30 =	smul.u32 $0x580, s1  }
0x8: {  	s7 =	smul.u32 $0x140000, s13;
	_ =	strace $0x80000047;
	s11 =	ssub.s32 $0x2, s13  }
0x9: {  	p0 =	sne.s32 s13, $0x0;
	s8 =	sshrl.u32 s6, $0x4;
	s12 =	sshrl.u32 s11, $0x1  }
0xa: {  	s29 =	sshrl.u32 s14, $0x3;
	s14 =	simm.s32 $0x2;
	s7 =	sadd.s32 s6, s7  }
0xb: {  	s8 =	sadd.s32 s8, s5;
	s6 =	sshrl.u32 s6, $0x1;
	s12 =	ssub.s32 s11, s12  }
0xc: {  	s31 =	sadd.s32 $0x5800, s29;
	s7 =	sshrl.u32 s7, $0x4;
	s16 =	sadd.s32 s6, s2  }
0xd: {  	s6 =	sor.u32 $0x1C02, s28;
	s12 =	smax.u32 s12, $0x1;
	s15 =	sadd.s32 s7, s5  }
0xe: {  	s5 =	sadd.s32 $0x15200, s8;
	s7 =	sadd.s32 s9, s31;
	s8 =	sadd.s32 s10, s31  }
0xf: {  	s9 =	sadd.s32 s9, s30;
	s10 =	sadd.s32 s10, s30;
	s13 =	sshrl.u32 s16, $0x3  }
0x10: {  	s16 =	simm.s32 $0xF800;
	s11 =	sadd.s32 $0x3CE00, s15;
	s15 =	simm.s32 $0x80  }
.LBB2_1:
0x11: {  	[spmem:s13], [sflag:s6] =	dma.local [hbm:s5], $0x1400  }
0x12: {  	_ =	swait.ge [sflag:s14], $0x1400  }
0x13: {  	[sflag:s14] =	ssyncset.done $0x0  }
0x14: {  	s18 =	simm.s32 @p0 $0x0;
	s19 =	simm.s32 @p0 $0xA000;
	[sflag:s14] =	ssyncadd.s32 $0xFFFFEC00  }
0x15: {  	[tilespmem:s19], [sflag:$0x2] =	stream.linear.gather @p0 [hbm4b:s7+s18], $0x2280, $0x38;
	[tilespmem:$0x11800] =	vst v63  }
0x16: {  	s19 =	simm.s32 @p0 $0x2  }
0x17: {  	_ =	swait.ge @p0 [sflag:s19], $0x2280  }
0x18: {  	[sflag:s19] =	ssyncset.done @p0 $0x0  }
0x19: {  	s20 =	simm.s32 @p0 $0xCC00;
	[sflag:s19] =	ssyncadd.s32 @p0 $0xFFFFDD80  }
0x1a: {  	[tilespmem:s20], [sflag:$0x2] =	stream.linear.gather @p0 [hbm4b:s8+s18], $0x2280, $0x38;
	[tilespmem:$0x11800] =	vst v63  }
0x1b: {  	_ =	swait.ge @p0 [sflag:s19], $0x2280  }
0x1c: {  	[sflag:s19] =	ssyncset.done @p0 $0x0  }
0x1d: {  	s18 =	simm.s32 @!p0 $0x0;
	[sflag:s19] =	ssyncadd.s32 @p0 $0xFFFFDD80;
	s19 =	simm.s32 @!p0 $0xA000  }
0x1e: {  	[tilespmem:s19], [sflag:$0x2] =	stream.linear.gather @!p0 [hbm4b:s9+s18], $0x2C00, $0x38;
	[tilespmem:$0x11800] =	vst v63  }
0x1f: {  	s19 =	simm.s32 @!p0 $0x2  }
0x20: {  	_ =	swait.ge @!p0 [sflag:s19], $0x2C00  }
0x21: {  	[sflag:s19] =	ssyncset.done @!p0 $0x0  }
0x22: {  	s20 =	simm.s32 @!p0 $0xCC00;
	[sflag:s19] =	ssyncadd.s32 @!p0 $0xFFFFD400  }
0x23: {  	[tilespmem:s20], [sflag:$0x2] =	stream.linear.gather @!p0 [hbm4b:s10+s18], $0x2C00, $0x38;
	[tilespmem:$0x11800] =	vst v63  }
0x24: {  	_ =	swait.ge @!p0 [sflag:s19], $0x2C00  }
0x25: {  	[sflag:s19] =	ssyncset.done @!p0 $0x0  }
0x26: {  	s20 =	simm.s32 @!p0 $0x58;
	[sflag:s19] =	ssyncadd.s32 @!p0 $0xFFFFD400  }
0x27: {  	s18 =	simm.s32 $0xA000;
	s20 =	simm.s32 @p0 $0x45;
	[bflag:$0x0] =	sbarrier.arrive $0xFFFF  }
0x28: {  	[tilespmem:s16], [sflag:$0x1] =	stream.indirect.gather [hbm4b:s4+s15], $0x40, s18, s15, $0xb8;
	[tilespmem:$0x11800] =	vst v63  }
0x29: {  	p1 =	sne.s32 s20, $0x1;
	_ =	swait.ge [sflag:s17], $0x2000  }
.Ltmp0:
0x2a: {  	[sflag:s17] =	ssyncset.done $0x0;
	(pc) =	sbr.rel @!p1 .LBB2_3-.Ltmp0, $4  }
0x2b: {  	s19 =	simm.s32 $0xCC00;
	[sflag:s17] =	ssyncadd.s32 $0xFFFFE000  }
0x2c: {  	[spmem:s2] =	stream.indirect.scatter.add.bf16 [tilespmem:s16], [sflag:$0x2], $0x40, s19, s15, $0xb8;
	[tilespmem:$0x11800] =	vst v63  }
0x2d: {  	_ =	swait.ge [sflag:s14], $0x2000  }
0x2e: {  	s20 =	sadd.s32 $0xFFFFFFFF, s20;
	[sflag:s14] =	ssyncset.done $0x0  }
.LBB2_2:
0x2f: {  	[sflag:s14] =	ssyncadd.s32 $0xFFFFE000;
	s18 =	sadd.s32 $0x80, s18;
	s19 =	sadd.s32 $0x80, s19  }
0x30: {  	[tilespmem:s16], [sflag:$0x1] =	stream.indirect.gather [hbm4b:s4+s15], $0x40, s18, s15, $0xb8;
	[tilespmem:$0x11800] =	vst v63  }
0x31: {  	p1 =	sne.s32 s20, $0x1;
	s20 =	sadd.s32 $0xFFFFFFFF, s20;
	_ =	swait.ge [sflag:s17], $0x2000  }
.Ltmp1:
0x32: {  	[sflag:s17] =	ssyncset.done $0x0;
	(pc) =	sbr.rel @p1 .LBB2_2-.Ltmp1, $4  }
0x33: {  	[sflag:s17] =	ssyncadd.s32 $0xFFFFE000  }
0x34: {  	[spmem:s2] =	stream.indirect.scatter.add.bf16 [tilespmem:s16], [sflag:$0x2], $0x40, s19, s15, $0xb8;
	[tilespmem:$0x11800] =	vst v63  }
0x35: {  	_ =	swait.ge [sflag:s14], $0x2000  }
0x36: {  	[sflag:s14] =	ssyncset.done $0x0  }
.LBB2_3:
0x37: {  	s3 =	sadd.s32 $0x1, s3  }
0x38: {  	[sflag:s14] =	ssyncadd.s32 $0xFFFFE000;
	p1 =	sne.s32 s3, s12  }
.Ltmp2:
0x39: {  	[bflag:$0x0] =	sbarrier.arrive $0xFFFF;
	(pc) =	sbr.rel @p1 .LBB2_1-.Ltmp2, $4  }
0x3a: {  	[hbm:s11], [sflag:s6] =	dma.local [spmem:s13], $0x1400  }
0x3b: {  	_ =	swait.ge [sflag:s14], $0x1400  }
0x3c: {  	[sflag:s14] =	ssyncset.done $0x0  }
0x3d: {  	[sflag:s14] =	ssyncadd.s32 $0xFFFFEC00  }
0x3e: {  	_ =	sfence.sel $0x180000  }
0x3f: {  	[bflag:$0x0] =	sbarrier.arrive $0xFFFF  }
0x40: {  	p0 =	sne.s32 s1, $0x0;
	_ =	strace $0x90000047  }
0x41: {  	s0 =	sadd.s32 @!p0 $0x100000, s0;
	[bflag:$0x2] =	sbarrier.arrive $0xFFFF  }
0x42: {  	[sflag:s0] =	ssyncadd.tile.s32 @!p0 $0x1;
	_ =	shalt  }
.Lfunc_end2:
_tile_overlayer_lowered:
.L_overlay_start_2:
0x43: {  	(tag) =	ssettag $0x2  }
0x44: {  	s0 =	rddreg [dreg:$0x0];
	s2 =	stileid.u32  }
0x45: {  	s1 =	rddreg [dreg:$0x1];
	p0 =	sne.s32 s2, $0x0  }
0x46: {  	s3 =	rddreg [dreg:$0x2];
	[bflag:$0x3] =	sbarrier.arrive $0xFFFF;
	s2 =	simm.s32 @!p0 $0x1C02  }
0x47: {  	[timem:s3], [sflag:s2] =	dma.local @!p0 [hbm:s0], s1  }
0x48: {  	s0 =	simm.s32 @!p0 $0x2  }
0x49: {  	_ =	swait.ge @!p0 [sflag:s0], s1  }
0x4a: {  	s1 =	ssub.s32 @!p0 $0x0, s1;
	[sflag:s0] =	ssyncset.done @!p0 $0x0  }
0x4b: {  	[sflag:s0] =	ssyncadd.s32 @!p0 s1  }
0x4c: {  	[bflag:$0x3] =	sbarrier.arrive $0xFFFF  }
0x4d: {  	_ =	shalt  }

</sc_bundles>
